<compile_context>
chip_gen: v7x
topology: tpu7x:2x2x1
jax: 0.10.2.dev20260603
libtpu: 0.0.44.dev20260713+nightly
codegen_flags: <defaults>
</compile_context>

<pallas_src>
import functools

import jax
import jax.numpy as jnp
from jax import lax
from jax.experimental import pallas as pl
from jax.experimental.pallas import tpu as pltpu
from jax.experimental.pallas import tpu_sc as plsc

_N_E = 8192
_E_DIM = 256
_BETA = 0.25
_T = 256
_SLAB1 = 2736
_SLAB2 = 5472


def _vq_kernel(zt_ref, se_ref, emb_ref, loss_ref, perp_ref, enc_ref,
               idx_ref, counts_sc, loss_sc):
    i = pl.program_id(0)
    n_tok = pl.num_programs(0) * _T

    zt = zt_ref[...]
    sz = jnp.sum(zt * zt, axis=1, keepdims=True)
    se = se_ref[...]
    emb = emb_ref[...]

    s2 = jax.lax.dot_general(-2.0 * zt, emb, (((1,), (1,)), ((), ())),
                             preferred_element_type=jnp.float32)
    d = (sz + se) + s2

    io = jax.lax.broadcasted_iota(
        jnp.int32, (1, _N_E), 1).astype(jnp.float32)
    inf = jnp.float32(jnp.inf)
    big = jnp.float32(_N_E)
    b0lo, b0hi = 2688, 2816
    b1lo, b1hi = 5376, 5504
    db0, db1 = d[:, b0lo:b0hi], d[:, b1lo:b1hi]
    iob0, iob1 = io[:, b0lo:b0hi], io[:, b1lo:b1hi]
    mk0, mk1 = iob0 < _SLAB1, iob1 < _SLAB2

    def _slab_scan(cols):
        (d0, io0) = cols[0]
        acc_v = d0
        acc_i = jnp.broadcast_to(io0, d0.shape)
        for dc, ioc in cols[1:]:
            take = dc < acc_v
            acc_i = jnp.where(take, jnp.broadcast_to(ioc, dc.shape), acc_i)
            acc_v = jnp.minimum(acc_v, dc)
        m = jnp.min(acc_v, axis=1, keepdims=True)
        idx = jnp.min(jnp.where(acc_v == m, acc_i, big), axis=1, keepdims=True)
        return m, idx

    def _cols(lo, hi):
        return [(d[:, c:c + 128], io[:, c:c + 128]) for c in range(lo, hi, 128)]

    m0, i0 = _slab_scan(_cols(0, b0lo) + [(jnp.where(mk0, db0, inf), iob0)])
    m1, i1 = _slab_scan([(jnp.where(mk0, inf, db0), iob0)]
                        + _cols(b0hi, b1lo)
                        + [(jnp.where(mk1, db1, inf), iob1)])
    m2, i2 = _slab_scan([(jnp.where(mk1, inf, db1), iob1)]
                        + _cols(b1hi, _N_E))

    q0 = m0.astype(jnp.bfloat16).astype(jnp.float32)
    t1 = m1 < q0
    v1 = jnp.where(t1, m1, q0)
    q1 = v1.astype(jnp.bfloat16).astype(jnp.float32)
    t2 = m2 < q1
    v_sel = jnp.where(t2, m2, jnp.where(t1, m1, m0))
    idxf = jnp.where(t2, i2, jnp.where(t1, i1, i0))
    idx_ref[...] = idxf.astype(jnp.int32)

    onehot = (io == idxf).astype(jnp.float32)
    enc_ref[...] = onehot

    @pl.when(i == 0)
    def _init():
        counts_sc[...] = jnp.zeros_like(counts_sc)
        loss_sc[...] = jnp.zeros_like(loss_sc)

    counts_sc[...] += jnp.sum(onehot, axis=0, keepdims=True)
    loss_sc[...] += jnp.sum(v_sel, keepdims=True)

    @pl.when(i == pl.num_programs(0) - 1)
    def _finalize():
        loss_ref[...] = (1.0 + _BETA) * loss_sc[...] / (n_tok * _E_DIM)
        e_mean = counts_sc[...] / n_tok
        ent = jnp.sum(e_mean * jnp.log(e_mean + 1e-10), keepdims=True)
        perp_ref[...] = jnp.exp(-ent)


def _make_sc_gather(n_tok):
    info = plsc.get_sparse_core_info()
    nw = info.num_cores * info.num_subcores
    b_per_w = n_tok // nw
    chunk = min(b_per_w, 256)
    n_chunks = b_per_w // chunk
    mesh = plsc.VectorSubcoreMesh(core_axis_name="c", subcore_axis_name="s")

    @functools.partial(
        pl.kernel, mesh=mesh,
        out_type=jax.ShapeDtypeStruct((n_tok, _E_DIM), jnp.float32),
        scratch_types=[
            pltpu.VMEM((chunk,), jnp.int32),
            pltpu.VMEM((chunk, _E_DIM), jnp.float32),
            pltpu.SemaphoreType.DMA,
        ],
    )
    def gather_k(table_hbm, idx_hbm, out_hbm, idx_v, rows_v, sem):
        wid = lax.axis_index("s") * info.num_cores + lax.axis_index("c")
        for c in range(n_chunks):
            base = wid * b_per_w + c * chunk
            pltpu.sync_copy(idx_hbm.at[pl.ds(base, chunk)], idx_v)
            pltpu.async_copy(table_hbm.at[idx_v], rows_v, sem).wait()
            pltpu.sync_copy(rows_v, out_hbm.at[pl.ds(base, chunk)])

    return gather_k


def kernel(z, emb):
    B, C, H, W = z.shape
    zp = jnp.transpose(z, (0, 2, 3, 1))
    z_flat = zp.reshape(-1, _E_DIM)
    n_tok = z_flat.shape[0]
    se = jnp.sum(emb ** 2, axis=1)[None, :]

    grid = (n_tok // _T,)
    loss, perp, enc, idx = pl.pallas_call(
        _vq_kernel,
        grid=grid,
        in_specs=[
            pl.BlockSpec((_T, _E_DIM), lambda i: (i, 0)),
            pl.BlockSpec((1, _N_E), lambda i: (0, 0)),
            pl.BlockSpec((_N_E, _E_DIM), lambda i: (0, 0)),
        ],
        out_specs=[
            pl.BlockSpec((1, 1), lambda i: (0, 0)),
            pl.BlockSpec((1, 1), lambda i: (0, 0)),
            pl.BlockSpec((_T, _N_E), lambda i: (i, 0)),
            pl.BlockSpec((_T, 1), lambda i: (i, 0)),
        ],
        out_shape=[
            jax.ShapeDtypeStruct((1, 1), jnp.float32),
            jax.ShapeDtypeStruct((1, 1), jnp.float32),
            jax.ShapeDtypeStruct((n_tok, _N_E), jnp.float32),
            jax.ShapeDtypeStruct((n_tok, 1), jnp.int32),
        ],
        scratch_shapes=[
            pltpu.VMEM((1, _N_E), jnp.float32),
            pltpu.VMEM((1, 1), jnp.float32),
        ],
    )(z_flat, se, emb)

    zq_flat = _make_sc_gather(n_tok)(emb, idx.reshape(-1))
    z_q = jnp.transpose(zq_flat.reshape(B, H, W, C), (0, 3, 1, 2))
    return (loss[0, 0], z_q, perp[0, 0], enc, idx)

# --- scband reference (transcript-rebuilt; emitter-appended) ---
"""Pipeline reference for scband-vector-quantizer-1340029796652 (READ-ONLY COPY).

The authoritative reference and input builder live on the scoring server;
editing this copy changes nothing except your own understanding.
"""

import jax, jax.numpy as jnp
import numpy as np

N_E = 8192
E_DIM = 256
BETA = 0.25

def setup_inputs(seed: int = 0) -> dict:
    key = jax.random.key(seed)
    k1, k2 = jax.random.split(key)
    z = jax.random.normal(k1, (16, 256, 32, 32), dtype=jnp.float32)
    emb = jax.random.uniform(k2, (N_E, E_DIM), dtype=jnp.float32, minval=-1.0 / N_E, maxval=1.0 / N_E)
    return {"z": z, "emb": emb}

def reference(z, emb):
    # z: (B, C, H, W) -> (B, H, W, C)
    zp = jnp.transpose(z, (0, 2, 3, 1))
    z_flat = zp.reshape(-1, E_DIM)
    # squared distances to each codebook entry
    d = (jnp.sum(z_flat ** 2, axis=1, keepdims=True)
         + jnp.sum(emb ** 2, axis=1)
         - 2.0 * jnp.matmul(z_flat, emb.T))
    min_encoding_indices = jnp.argmin(d, axis=1)[:, None]
    min_encodings = jax.nn.one_hot(min_encoding_indices[:, 0], N_E, dtype=jnp.float32)
    z_q = jnp.matmul(min_encodings, emb).reshape(zp.shape)
    loss = (jnp.mean((jax.lax.stop_gradient(z_q) - zp) ** 2)
            + BETA * jnp.mean((z_q - jax.lax.stop_gradient(zp)) ** 2))
    z_q = zp + jax.lax.stop_gradient(z_q - zp)
    e_mean = jnp.mean(min_encodings, axis=0)
    perplexity = jnp.exp(-jnp.sum(e_mean * jnp.log(e_mean + 1e-10)))
    z_q = jnp.transpose(z_q, (0, 3, 1, 2))
    return (loss, z_q, perplexity, min_encodings, min_encoding_indices)

if __name__ == "__main__":
    import jax
    _d = setup_inputs()
    print(jax.jit(kernel)(*tuple(_d.values())))

</pallas_src>

<mosaic_0001>
#map = affine_map<(d0, d1) -> (0, 0)>
#map1 = affine_map<(d0, d1) -> (0)>
module attributes {stable_mosaic.version = 14 : i64} {
  func.func @gather_k(%arg0: i32, %arg1: i32, %arg2: memref<8192x256xf32, #tpu.memory_space<hbm>>, %arg3: memref<16384xi32, #tpu.memory_space<hbm>>, %arg4: memref<16384x256xf32, #tpu.memory_space<hbm>>, %arg5: memref<256xi32, #tpu.memory_space<vmem>>, %arg6: memref<256x256xf32, #tpu.memory_space<vmem>>, %arg7: memref<!tpu.dma_semaphore, #tpu.memory_space<semaphore_mem>>) attributes {dimension_semantics = [#tpu.dimension_semantics<core_parallel>, #tpu.dimension_semantics<subcore_parallel>], iteration_bounds = array<i64: 2, 16>, scalar_prefetch = 0 : i64, scratch_operands = 3 : i64, tpu.core_type = #tpu.core_type<sc_vector_subcore>, window_params = [{transform_indices = #map}, {transform_indices = #map1}, {transform_indices = #map}]} {
    %mul3A = arith.constant 2 : i32
    %mul3A_0 = arith.muli %arg1, %mul3A : i32
    %add3A = arith.addi %mul3A_0, %arg0 : i32
    %mul3A_1 = arith.constant 512 : i32
    %mul3A_2 = arith.muli %add3A, %mul3A_1 : i32
    %add3A_3 = arith.constant 0 : i32
    %add3A_4 = arith.addi %mul3A_2, %add3A_3 : i32
    "tpu.region"() ({
      %run_scoped3A = tpu.sem_alloc : memref<!tpu.dma_semaphore, #tpu.memory_space<semaphore_mem>>
      %dma_start3A_19 = tpu.memref_slice %arg3[%add3A_4] : memref<16384xi32, #tpu.memory_space<hbm>> -> memref<256xi32, #tpu.memory_space<hbm>>
      %dma_start3A_20 = tpu.memref_slice %arg3[%add3A_4] : memref<16384xi32, #tpu.memory_space<hbm>> -> memref<256xi32, #tpu.memory_space<hbm>>
      tpu.enqueue_dma source(%dma_start3A_20 : memref<256xi32, #tpu.memory_space<hbm>>) target(%arg5 : memref<256xi32, #tpu.memory_space<vmem>>) target_semaphore(%run_scoped3A : memref<!tpu.dma_semaphore, #tpu.memory_space<semaphore_mem>>)
      %dma_wait3A_21 = tpu.memref_slice %arg3[%add3A_4] : memref<16384xi32, #tpu.memory_space<hbm>> -> memref<256xi32, #tpu.memory_space<hbm>>
      %dma_wait3A_22 = tpu.memref_slice %arg3[%add3A_4] : memref<16384xi32, #tpu.memory_space<hbm>> -> memref<256xi32, #tpu.memory_space<hbm>>
      tpu.wait_dma2 semaphore(%run_scoped3A : memref<!tpu.dma_semaphore, #tpu.memory_space<semaphore_mem>>) src(%dma_wait3A_22 : memref<256xi32, #tpu.memory_space<hbm>>) dst(%arg5 : memref<256xi32, #tpu.memory_space<vmem>>)
      tpu.yield
    }) : () -> ()
    %dma_start3A = arith.constant 0 : i32
    %dma_start3A_5 = arith.constant 0 : i32
    %dma_start3A_6 = tpu.memref_slice %arg2[%dma_start3A, %dma_start3A_5] : memref<8192x256xf32, #tpu.memory_space<hbm>> -> memref<8192x256xf32, #tpu.memory_space<hbm>>
    tpu.enqueue_indirect_dma source(%dma_start3A_6 : memref<8192x256xf32, #tpu.memory_space<hbm>>) target(%arg6 : memref<256x256xf32, #tpu.memory_space<vmem>>) offsets(%arg5 : memref<256xi32, #tpu.memory_space<vmem>>) semaphore(%arg7 : memref<!tpu.dma_semaphore, #tpu.memory_space<semaphore_mem>>)
    %dma_wait3A = arith.constant 0 : i32
    %dma_wait3A_7 = arith.constant 0 : i32
    %dma_wait3A_8 = tpu.memref_slice %arg2[%dma_wait3A, %dma_wait3A_7] : memref<8192x256xf32, #tpu.memory_space<hbm>> -> memref<8192x256xf32, #tpu.memory_space<hbm>>
    tpu.wait_indirect_dma semaphore(%arg7 : memref<!tpu.dma_semaphore, #tpu.memory_space<semaphore_mem>>) src(%dma_wait3A_8 : memref<8192x256xf32, #tpu.memory_space<hbm>>) dst(%arg6 : memref<256x256xf32, #tpu.memory_space<vmem>>)
    "tpu.region"() ({
      %run_scoped3A = tpu.sem_alloc : memref<!tpu.dma_semaphore, #tpu.memory_space<semaphore_mem>>
      %dma_start3A_19 = arith.constant 0 : i32
      %dma_start3A_20 = tpu.memref_slice %arg4[%add3A_4, %dma_start3A_19] : memref<16384x256xf32, #tpu.memory_space<hbm>> -> memref<256x256xf32, #tpu.memory_space<hbm>>
      %dma_start3A_21 = arith.constant 0 : i32
      %dma_start3A_22 = tpu.memref_slice %arg4[%add3A_4, %dma_start3A_21] : memref<16384x256xf32, #tpu.memory_space<hbm>> -> memref<256x256xf32, #tpu.memory_space<hbm>>
      tpu.enqueue_dma source(%arg6 : memref<256x256xf32, #tpu.memory_space<vmem>>) target(%dma_start3A_22 : memref<256x256xf32, #tpu.memory_space<hbm>>) target_semaphore(%run_scoped3A : memref<!tpu.dma_semaphore, #tpu.memory_space<semaphore_mem>>)
      %dma_wait3A_23 = arith.constant 0 : i32
      %dma_wait3A_24 = tpu.memref_slice %arg4[%add3A_4, %dma_wait3A_23] : memref<16384x256xf32, #tpu.memory_space<hbm>> -> memref<256x256xf32, #tpu.memory_space<hbm>>
      %dma_wait3A_25 = arith.constant 0 : i32
      %dma_wait3A_26 = tpu.memref_slice %arg4[%add3A_4, %dma_wait3A_25] : memref<16384x256xf32, #tpu.memory_space<hbm>> -> memref<256x256xf32, #tpu.memory_space<hbm>>
      tpu.wait_dma2 semaphore(%run_scoped3A : memref<!tpu.dma_semaphore, #tpu.memory_space<semaphore_mem>>) src(%arg6 : memref<256x256xf32, #tpu.memory_space<vmem>>) dst(%dma_wait3A_26 : memref<256x256xf32, #tpu.memory_space<hbm>>)
      tpu.yield
    }) : () -> ()
    %mul3A_9 = arith.constant 512 : i32
    %mul3A_10 = arith.muli %add3A, %mul3A_9 : i32
    %add3A_11 = arith.constant 256 : i32
    %add3A_12 = arith.addi %mul3A_10, %add3A_11 : i32
    "tpu.region"() ({
      %run_scoped3A = tpu.sem_alloc : memref<!tpu.dma_semaphore, #tpu.memory_space<semaphore_mem>>
      %dma_start3A_19 = tpu.memref_slice %arg3[%add3A_12] : memref<16384xi32, #tpu.memory_space<hbm>> -> memref<256xi32, #tpu.memory_space<hbm>>
      %dma_start3A_20 = tpu.memref_slice %arg3[%add3A_12] : memref<16384xi32, #tpu.memory_space<hbm>> -> memref<256xi32, #tpu.memory_space<hbm>>
      tpu.enqueue_dma source(%dma_start3A_20 : memref<256xi32, #tpu.memory_space<hbm>>) target(%arg5 : memref<256xi32, #tpu.memory_space<vmem>>) target_semaphore(%run_scoped3A : memref<!tpu.dma_semaphore, #tpu.memory_space<semaphore_mem>>)
      %dma_wait3A_21 = tpu.memref_slice %arg3[%add3A_12] : memref<16384xi32, #tpu.memory_space<hbm>> -> memref<256xi32, #tpu.memory_space<hbm>>
      %dma_wait3A_22 = tpu.memref_slice %arg3[%add3A_12] : memref<16384xi32, #tpu.memory_space<hbm>> -> memref<256xi32, #tpu.memory_space<hbm>>
      tpu.wait_dma2 semaphore(%run_scoped3A : memref<!tpu.dma_semaphore, #tpu.memory_space<semaphore_mem>>) src(%dma_wait3A_22 : memref<256xi32, #tpu.memory_space<hbm>>) dst(%arg5 : memref<256xi32, #tpu.memory_space<vmem>>)
      tpu.yield
    }) : () -> ()
    %dma_start3A_13 = arith.constant 0 : i32
    %dma_start3A_14 = arith.constant 0 : i32
    %dma_start3A_15 = tpu.memref_slice %arg2[%dma_start3A_13, %dma_start3A_14] : memref<8192x256xf32, #tpu.memory_space<hbm>> -> memref<8192x256xf32, #tpu.memory_space<hbm>>
    tpu.enqueue_indirect_dma source(%dma_start3A_15 : memref<8192x256xf32, #tpu.memory_space<hbm>>) target(%arg6 : memref<256x256xf32, #tpu.memory_space<vmem>>) offsets(%arg5 : memref<256xi32, #tpu.memory_space<vmem>>) semaphore(%arg7 : memref<!tpu.dma_semaphore, #tpu.memory_space<semaphore_mem>>)
    %dma_wait3A_16 = arith.constant 0 : i32
    %dma_wait3A_17 = arith.constant 0 : i32
    %dma_wait3A_18 = tpu.memref_slice %arg2[%dma_wait3A_16, %dma_wait3A_17] : memref<8192x256xf32, #tpu.memory_space<hbm>> -> memref<8192x256xf32, #tpu.memory_space<hbm>>
    tpu.wait_indirect_dma semaphore(%arg7 : memref<!tpu.dma_semaphore, #tpu.memory_space<semaphore_mem>>) src(%dma_wait3A_18 : memref<8192x256xf32, #tpu.memory_space<hbm>>) dst(%arg6 : memref<256x256xf32, #tpu.memory_space<vmem>>)
    "tpu.region"() ({
      %run_scoped3A = tpu.sem_alloc : memref<!tpu.dma_semaphore, #tpu.memory_space<semaphore_mem>>
      %dma_start3A_19 = arith.constant 0 : i32
      %dma_start3A_20 = tpu.memref_slice %arg4[%add3A_12, %dma_start3A_19] : memref<16384x256xf32, #tpu.memory_space<hbm>> -> memref<256x256xf32, #tpu.memory_space<hbm>>
      %dma_start3A_21 = arith.constant 0 : i32
      %dma_start3A_22 = tpu.memref_slice %arg4[%add3A_12, %dma_start3A_21] : memref<16384x256xf32, #tpu.memory_space<hbm>> -> memref<256x256xf32, #tpu.memory_space<hbm>>
      tpu.enqueue_dma source(%arg6 : memref<256x256xf32, #tpu.memory_space<vmem>>) target(%dma_start3A_22 : memref<256x256xf32, #tpu.memory_space<hbm>>) target_semaphore(%run_scoped3A : memref<!tpu.dma_semaphore, #tpu.memory_space<semaphore_mem>>)
      %dma_wait3A_23 = arith.constant 0 : i32
      %dma_wait3A_24 = tpu.memref_slice %arg4[%add3A_12, %dma_wait3A_23] : memref<16384x256xf32, #tpu.memory_space<hbm>> -> memref<256x256xf32, #tpu.memory_space<hbm>>
      %dma_wait3A_25 = arith.constant 0 : i32
      %dma_wait3A_26 = tpu.memref_slice %arg4[%add3A_12, %dma_wait3A_25] : memref<16384x256xf32, #tpu.memory_space<hbm>> -> memref<256x256xf32, #tpu.memory_space<hbm>>
      tpu.wait_dma2 semaphore(%run_scoped3A : memref<!tpu.dma_semaphore, #tpu.memory_space<semaphore_mem>>) src(%arg6 : memref<256x256xf32, #tpu.memory_space<vmem>>) dst(%dma_wait3A_26 : memref<256x256xf32, #tpu.memory_space<hbm>>)
      tpu.yield
    }) : () -> ()
    return
  }
}

module attributes {stable_mosaic.version = 14 : i64} {
  func.func @_vq_kernel(%arg0: i32, %arg1: memref<256x256xf32, #tpu.memory_space<vmem>>, %arg2: memref<1x8192xf32, #tpu.memory_space<vmem>>, %arg3: memref<8192x256xf32, #tpu.memory_space<vmem>>, %arg4: memref<1x1xf32, #tpu.memory_space<vmem>>, %arg5: memref<1x1xf32, #tpu.memory_space<vmem>>, %arg6: memref<256x8192xf32, #tpu.memory_space<vmem>>, %arg7: memref<256x1xi32, #tpu.memory_space<vmem>>, %arg8: memref<1x8192xf32, #tpu.memory_space<vmem>>, %arg9: memref<1x1xf32, #tpu.memory_space<vmem>>) attributes {dimension_semantics = [#tpu.dimension_semantics<arbitrary>], iteration_bounds = array<i64: 64>, scalar_prefetch = 0 : i64, scratch_operands = 2 : i64, tpu.core_type = #tpu.core_type<tc>, window_params = [{transform_indices = @transform_0, window_bounds = array<i64: 256, 256>}, {pipeline_mode = #tpu.pipeline_mode<synchronous>, transform_indices = @transform_1, window_bounds = array<i64: 1, 8192>}, {pipeline_mode = #tpu.pipeline_mode<synchronous>, transform_indices = @transform_2, window_bounds = array<i64: 8192, 256>}, {pipeline_mode = #tpu.pipeline_mode<synchronous>, transform_indices = @transform_3, window_bounds = array<i64: 1, 1>}, {pipeline_mode = #tpu.pipeline_mode<synchronous>, transform_indices = @transform_4, window_bounds = array<i64: 1, 1>}, {transform_indices = @transform_5, window_bounds = array<i64: 256, 8192>}, {transform_indices = @transform_6, window_bounds = array<i64: 256, 1>}]} {
    %get3A = arith.constant 0 : index
    %get3A_0 = arith.constant 0 : index
    %get3A_1 = vector.load %arg1[%get3A, %get3A_0] : memref<256x256xf32, #tpu.memory_space<vmem>>, vector<256x256xf32>
    %mul3A = arith.mulf %get3A_1, %get3A_1 : vector<256x256xf32>
    %reduce_sum3A = arith.constant dense<0.000000e+00> : vector<256xf32>
    %reduce_sum3A_2 = vector.multi_reduction <add>, %mul3A, %reduce_sum3A [1] : vector<256x256xf32> to vector<256xf32>
    %broadcast_in_dim3A = vector.shape_cast %reduce_sum3A_2 : vector<256xf32> to vector<256x1xf32>
    %get3A_3 = arith.constant 0 : index
    %get3A_4 = arith.constant 0 : index
    %get3A_5 = vector.load %arg2[%get3A_3, %get3A_4] : memref<1x8192xf32, #tpu.memory_space<vmem>>, vector<1x8192xf32>
    %get3A_6 = arith.constant 0 : index
    %get3A_7 = arith.constant 0 : index
    %get3A_8 = vector.load %arg3[%get3A_6, %get3A_7] : memref<8192x256xf32, #tpu.memory_space<vmem>>, vector<8192x256xf32>
    %mul3A_9 = arith.constant -2.000000e+00 : f32
    %mul3A_10 = vector.broadcast %mul3A_9 : f32 to vector<256x256xf32>
    %mul3A_11 = arith.mulf %mul3A_10, %get3A_1 : vector<256x256xf32>
    %dot_general3A = arith.constant dense<0.000000e+00> : vector<256x8192xf32>
    %dot_general3A_12 = tpu.matmul %mul3A_11, %get3A_8, %dot_general3A {dimension_numbers = #tpu.dot_dimension_numbers<[1], [1], [0], [0], [0, 0, 1, 0], [], []>, transpose_lhs_hint = false} : vector<256x256xf32>, vector<8192x256xf32>, vector<256x8192xf32> -> vector<256x8192xf32>
    %add3A = vector.broadcast %broadcast_in_dim3A : vector<256x1xf32> to vector<256x8192xf32>
    %add3A_13 = vector.broadcast %get3A_5 : vector<1x8192xf32> to vector<256x8192xf32>
    %add3A_14 = arith.addf %add3A, %add3A_13 : vector<256x8192xf32>
    %add3A_15 = arith.addf %add3A_14, %dot_general3A_12 : vector<256x8192xf32>
    %iota3A = tpu.iota {dimensions = array<i32: 1>} : vector<1x8192xi32>
    %convert_element_type3A = arith.sitofp %iota3A : vector<1x8192xi32> to vector<1x8192xf32>
    %slice3A = vector.extract_strided_slice %add3A_15 {offsets = [0, 2688], sizes = [256, 128], strides = [1, 1]} : vector<256x8192xf32> to vector<256x128xf32>
    %slice3A_16 = vector.extract_strided_slice %add3A_15 {offsets = [0, 5376], sizes = [256, 128], strides = [1, 1]} : vector<256x8192xf32> to vector<256x128xf32>
    %slice3A_17 = vector.extract_strided_slice %convert_element_type3A {offsets = [0, 2688], sizes = [1, 128], strides = [1, 1]} : vector<1x8192xf32> to vector<1x128xf32>
    %slice3A_18 = vector.extract_strided_slice %convert_element_type3A {offsets = [0, 5376], sizes = [1, 128], strides = [1, 1]} : vector<1x8192xf32> to vector<1x128xf32>
    %lt3A = arith.constant 2.736000e+03 : f32
    %lt3A_19 = vector.broadcast %lt3A : f32 to vector<1x128xf32>
    %lt3A_20 = arith.cmpf olt, %slice3A_17, %lt3A_19 : vector<1x128xf32>
    %lt3A_21 = arith.constant 5.472000e+03 : f32
    %lt3A_22 = vector.broadcast %lt3A_21 : f32 to vector<1x128xf32>
    %lt3A_23 = arith.cmpf olt, %slice3A_18, %lt3A_22 : vector<1x128xf32>
    %slice3A_24 = vector.extract_strided_slice %add3A_15 {offsets = [0, 0], sizes = [256, 128], strides = [1, 1]} : vector<256x8192xf32> to vector<256x128xf32>
    %slice3A_25 = vector.extract_strided_slice %convert_element_type3A {offsets = [0, 0], sizes = [1, 128], strides = [1, 1]} : vector<1x8192xf32> to vector<1x128xf32>
    %slice3A_26 = vector.extract_strided_slice %add3A_15 {offsets = [0, 128], sizes = [256, 128], strides = [1, 1]} : vector<256x8192xf32> to vector<256x128xf32>
    %slice3A_27 = vector.extract_strided_slice %convert_element_type3A {offsets = [0, 128], sizes = [1, 128], strides = [1, 1]} : vector<1x8192xf32> to vector<1x128xf32>
    %slice3A_28 = vector.extract_strided_slice %add3A_15 {offsets = [0, 256], sizes = [256, 128], strides = [1, 1]} : vector<256x8192xf32> to vector<256x128xf32>
    %slice3A_29 = vector.extract_strided_slice %convert_element_type3A {offsets = [0, 256], sizes = [1, 128], strides = [1, 1]} : vector<1x8192xf32> to vector<1x128xf32>
    %slice3A_30 = vector.extract_strided_slice %add3A_15 {offsets = [0, 384], sizes = [256, 128], strides = [1, 1]} : vector<256x8192xf32> to vector<256x128xf32>
    %slice3A_31 = vector.extract_strided_slice %convert_element_type3A {offsets = [0, 384], sizes = [1, 128], strides = [1, 1]} : vector<1x8192xf32> to vector<1x128xf32>
    %slice3A_32 = vector.extract_strided_slice %add3A_15 {offsets = [0, 512], sizes = [256, 128], strides = [1, 1]} : vector<256x8192xf32> to vector<256x128xf32>
    %slice3A_33 = vector.extract_strided_slice %convert_element_type3A {offsets = [0, 512], sizes = [1, 128], strides = [1, 1]} : vector<1x8192xf32> to vector<1x128xf32>
    %slice3A_34 = vector.extract_strided_slice %add3A_15 {offsets = [0, 640], sizes = [256, 128], strides = [1, 1]} : vector<256x8192xf32> to vector<256x128xf32>
    %slice3A_35 = vector.extract_strided_slice %convert_element_type3A {offsets = [0, 640], sizes = [1, 128], strides = [1, 1]} : vector<1x8192xf32> to vector<1x128xf32>
    %slice3A_36 = vector.extract_strided_slice %add3A_15 {offsets = [0, 768], sizes = [256, 128], strides = [1, 1]} : vector<256x8192xf32> to vector<256x128xf32>
    %slice3A_37 = vector.extract_strided_slice %convert_element_type3A {offsets = [0, 768], sizes = [1, 128], strides = [1, 1]} : vector<1x8192xf32> to vector<1x128xf32>
    %slice3A_38 = vector.extract_strided_slice %add3A_15 {offsets = [0, 896], sizes = [256, 128], strides = [1, 1]} : vector<256x8192xf32> to vector<256x128xf32>
    %slice3A_39 = vector.extract_strided_slice %convert_element_type3A {offsets = [0, 896], sizes = [1, 128], strides = [1, 1]} : vector<1x8192xf32> to vector<1x128xf32>
    %slice3A_40 = vector.extract_strided_slice %add3A_15 {offsets = [0, 1024], sizes = [256, 128], strides = [1, 1]} : vector<256x8192xf32> to vector<256x128xf32>
    %slice3A_41 = vector.extract_strided_slice %convert_element_type3A {offsets = [0, 1024], sizes = [1, 128], strides = [1, 1]} : vector<1x8192xf32> to vector<1x128xf32>
    %slice3A_42 = vector.extract_strided_slice %add3A_15 {offsets = [0, 1152], sizes = [256, 128], strides = [1, 1]} : vector<256x8192xf32> to vector<256x128xf32>
    %slice3A_43 = vector.extract_strided_slice %convert_element_type3A {offsets = [0, 1152], sizes = [1, 128], strides = [1, 1]} : vector<1x8192xf32> to vector<1x128xf32>
    %slice3A_44 = vector.extract_strided_slice %add3A_15 {offsets = [0, 1280], sizes = [256, 128], strides = [1, 1]} : vector<256x8192xf32> to vector<256x128xf32>
    %slice3A_45 = vector.extract_strided_slice %convert_element_type3A {offsets = [0, 1280], sizes = [1, 128], strides = [1, 1]} : vector<1x8192xf32> to vector<1x128xf32>
    %slice3A_46 = vector.extract_strided_slice %add3A_15 {offsets = [0, 1408], sizes = [256, 128], strides = [1, 1]} : vector<256x8192xf32> to vector<256x128xf32>
    %slice3A_47 = vector.extract_strided_slice %convert_element_type3A {offsets = [0, 1408], sizes = [1, 128], strides = [1, 1]} : vector<1x8192xf32> to vector<1x128xf32>
    %slice3A_48 = vector.extract_strided_slice %add3A_15 {offsets = [0, 1536], sizes = [256, 128], strides = [1, 1]} : vector<256x8192xf32> to vector<256x128xf32>
    %slice3A_49 = vector.extract_strided_slice %convert_element_type3A {offsets = [0, 1536], sizes = [1, 128], strides = [1, 1]} : vector<1x8192xf32> to vector<1x128xf32>
    %slice3A_50 = vector.extract_strided_slice %add3A_15 {offsets = [0, 1664], sizes = [256, 128], strides = [1, 1]} : vector<256x8192xf32> to vector<256x128xf32>
    %slice3A_51 = vector.extract_strided_slice %convert_element_type3A {offsets = [0, 1664], sizes = [1, 128], strides = [1, 1]} : vector<1x8192xf32> to vector<1x128xf32>
    %slice3A_52 = vector.extract_strided_slice %add3A_15 {offsets = [0, 1792], sizes = [256, 128], strides = [1, 1]} : vector<256x8192xf32> to vector<256x128xf32>
    %slice3A_53 = vector.extract_strided_slice %convert_element_type3A {offsets = [0, 1792], sizes = [1, 128], strides = [1, 1]} : vector<1x8192xf32> to vector<1x128xf32>
    %slice3A_54 = vector.extract_strided_slice %add3A_15 {offsets = [0, 1920], sizes = [256, 128], strides = [1, 1]} : vector<256x8192xf32> to vector<256x128xf32>
    %slice3A_55 = vector.extract_strided_slice %convert_element_type3A {offsets = [0, 1920], sizes = [1, 128], strides = [1, 1]} : vector<1x8192xf32> to vector<1x128xf32>
    %slice3A_56 = vector.extract_strided_slice %add3A_15 {offsets = [0, 2048], sizes = [256, 128], strides = [1, 1]} : vector<256x8192xf32> to vector<256x128xf32>
    %slice3A_57 = vector.extract_strided_slice %convert_element_type3A {offsets = [0, 2048], sizes = [1, 128], strides = [1, 1]} : vector<1x8192xf32> to vector<1x128xf32>
    %slice3A_58 = vector.extract_strided_slice %add3A_15 {offsets = [0, 2176], sizes = [256, 128], strides = [1, 1]} : vector<256x8192xf32> to vector<256x128xf32>
    %slice3A_59 = vector.extract_strided_slice %convert_element_type3A {offsets = [0, 2176], sizes = [1, 128], strides = [1, 1]} : vector<1x8192xf32> to vector<1x128xf32>
    %slice3A_60 = vector.extract_strided_slice %add3A_15 {offsets = [0, 2304], sizes = [256, 128], strides = [1, 1]} : vector<256x8192xf32> to vector<256x128xf32>
    %slice3A_61 = vector.extract_strided_slice %convert_element_type3A {offsets = [0, 2304], sizes = [1, 128], strides = [1, 1]} : vector<1x8192xf32> to vector<1x128xf32>
    %slice3A_62 = vector.extract_strided_slice %add3A_15 {offsets = [0, 2432], sizes = [256, 128], strides = [1, 1]} : vector<256x8192xf32> to vector<256x128xf32>
    %slice3A_63 = vector.extract_strided_slice %convert_element_type3A {offsets = [0, 2432], sizes = [1, 128], strides = [1, 1]} : vector<1x8192xf32> to vector<1x128xf32>
    %slice3A_64 = vector.extract_strided_slice %add3A_15 {offsets = [0, 2560], sizes = [256, 128], strides = [1, 1]} : vector<256x8192xf32> to vector<256x128xf32>
    %slice3A_65 = vector.extract_strided_slice %convert_element_type3A {offsets = [0, 2560], sizes = [1, 128], strides = [1, 1]} : vector<1x8192xf32> to vector<1x128xf32>
    %jit3A = arith.constant 0x7F800000 : f32
    %broadcast_in_dim3A_66 = vector.shape_cast %lt3A_20 : vector<1x128xi1> to vector<1x128xi1>
    %broadcast_in_dim3A_67 = vector.broadcast %broadcast_in_dim3A_66 : vector<1x128xi1> to vector<256x128xi1>
    %broadcast_in_dim3A_68 = vector.broadcast %jit3A : f32 to vector<256x128xf32>
    %select_n3A = arith.select %broadcast_in_dim3A_67, %slice3A, %broadcast_in_dim3A_68 : vector<256x128xi1>, vector<256x128xf32>
    %broadcast_in_dim3A_69 = vector.shape_cast %slice3A_25 : vector<1x128xf32> to vector<1x128xf32>
    %broadcast_in_dim3A_70 = vector.broadcast %broadcast_in_dim3A_69 : vector<1x128xf32> to vector<256x128xf32>
    %lt3A_71 = arith.cmpf olt, %slice3A_26, %slice3A_24 : vector<256x128xf32>
    %broadcast_in_dim3A_72 = vector.shape_cast %slice3A_27 : vector<1x128xf32> to vector<1x128xf32>
    %broadcast_in_dim3A_73 = vector.broadcast %broadcast_in_dim3A_72 : vector<1x128xf32> to vector<256x128xf32>
    %select_n3A_74 = arith.select %lt3A_71, %broadcast_in_dim3A_73, %broadcast_in_dim3A_70 : vector<256x128xi1>, vector<256x128xf32>
    %min3A = arith.minimumf %slice3A_24, %slice3A_26 : vector<256x128xf32>
    %lt3A_75 = arith.cmpf olt, %slice3A_28, %min3A : vector<256x128xf32>
    %broadcast_in_dim3A_76 = vector.shape_cast %slice3A_29 : vector<1x128xf32> to vector<1x128xf32>
    %broadcast_in_dim3A_77 = vector.broadcast %broadcast_in_dim3A_76 : vector<1x128xf32> to vector<256x128xf32>
    %select_n3A_78 = arith.select %lt3A_75, %broadcast_in_dim3A_77, %select_n3A_74 : vector<256x128xi1>, vector<256x128xf32>
    %min3A_79 = arith.minimumf %min3A, %slice3A_28 : vector<256x128xf32>
    %lt3A_80 = arith.cmpf olt, %slice3A_30, %min3A_79 : vector<256x128xf32>
    %broadcast_in_dim3A_81 = vector.shape_cast %slice3A_31 : vector<1x128xf32> to vector<1x128xf32>
    %broadcast_in_dim3A_82 = vector.broadcast %broadcast_in_dim3A_81 : vector<1x128xf32> to vector<256x128xf32>
    %select_n3A_83 = arith.select %lt3A_80, %broadcast_in_dim3A_82, %select_n3A_78 : vector<256x128xi1>, vector<256x128xf32>
    %min3A_84 = arith.minimumf %min3A_79, %slice3A_30 : vector<256x128xf32>
    %lt3A_85 = arith.cmpf olt, %slice3A_32, %min3A_84 : vector<256x128xf32>
    %broadcast_in_dim3A_86 = vector.shape_cast %slice3A_33 : vector<1x128xf32> to vector<1x128xf32>
    %broadcast_in_dim3A_87 = vector.broadcast %broadcast_in_dim3A_86 : vector<1x128xf32> to vector<256x128xf32>
    %select_n3A_88 = arith.select %lt3A_85, %broadcast_in_dim3A_87, %select_n3A_83 : vector<256x128xi1>, vector<256x128xf32>
    %min3A_89 = arith.minimumf %min3A_84, %slice3A_32 : vector<256x128xf32>
    %lt3A_90 = arith.cmpf olt, %slice3A_34, %min3A_89 : vector<256x128xf32>
    %broadcast_in_dim3A_91 = vector.shape_cast %slice3A_35 : vector<1x128xf32> to vector<1x128xf32>
    %broadcast_in_dim3A_92 = vector.broadcast %broadcast_in_dim3A_91 : vector<1x128xf32> to vector<256x128xf32>
    %select_n3A_93 = arith.select %lt3A_90, %broadcast_in_dim3A_92, %select_n3A_88 : vector<256x128xi1>, vector<256x128xf32>
    %min3A_94 = arith.minimumf %min3A_89, %slice3A_34 : vector<256x128xf32>
    %lt3A_95 = arith.cmpf olt, %slice3A_36, %min3A_94 : vector<256x128xf32>
    %broadcast_in_dim3A_96 = vector.shape_cast %slice3A_37 : vector<1x128xf32> to vector<1x128xf32>
    %broadcast_in_dim3A_97 = vector.broadcast %broadcast_in_dim3A_96 : vector<1x128xf32> to vector<256x128xf32>
    %select_n3A_98 = arith.select %lt3A_95, %broadcast_in_dim3A_97, %select_n3A_93 : vector<256x128xi1>, vector<256x128xf32>
    %min3A_99 = arith.minimumf %min3A_94, %slice3A_36 : vector<256x128xf32>
    %lt3A_100 = arith.cmpf olt, %slice3A_38, %min3A_99 : vector<256x128xf32>
    %broadcast_in_dim3A_101 = vector.shape_cast %slice3A_39 : vector<1x128xf32> to vector<1x128xf32>
    %broadcast_in_dim3A_102 = vector.broadcast %broadcast_in_dim3A_101 : vector<1x128xf32> to vector<256x128xf32>
    %select_n3A_103 = arith.select %lt3A_100, %broadcast_in_dim3A_102, %select_n3A_98 : vector<256x128xi1>, vector<256x128xf32>
    %min3A_104 = arith.minimumf %min3A_99, %slice3A_38 : vector<256x128xf32>
    %lt3A_105 = arith.cmpf olt, %slice3A_40, %min3A_104 : vector<256x128xf32>
    %broadcast_in_dim3A_106 = vector.shape_cast %slice3A_41 : vector<1x128xf32> to vector<1x128xf32>
    %broadcast_in_dim3A_107 = vector.broadcast %broadcast_in_dim3A_106 : vector<1x128xf32> to vector<256x128xf32>
    %select_n3A_108 = arith.select %lt3A_105, %broadcast_in_dim3A_107, %select_n3A_103 : vector<256x128xi1>, vector<256x128xf32>
    %min3A_109 = arith.minimumf %min3A_104, %slice3A_40 : vector<256x128xf32>
    %lt3A_110 = arith.cmpf olt, %slice3A_42, %min3A_109 : vector<256x128xf32>
    %broadcast_in_dim3A_111 = vector.shape_cast %slice3A_43 : vector<1x128xf32> to vector<1x128xf32>
    %broadcast_in_dim3A_112 = vector.broadcast %broadcast_in_dim3A_111 : vector<1x128xf32> to vector<256x128xf32>
    %select_n3A_113 = arith.select %lt3A_110, %broadcast_in_dim3A_112, %select_n3A_108 : vector<256x128xi1>, vector<256x128xf32>
    %min3A_114 = arith.minimumf %min3A_109, %slice3A_42 : vector<256x128xf32>
    %lt3A_115 = arith.cmpf olt, %slice3A_44, %min3A_114 : vector<256x128xf32>
    %broadcast_in_dim3A_116 = vector.shape_cast %slice3A_45 : vector<1x128xf32> to vector<1x128xf32>
    %broadcast_in_dim3A_117 = vector.broadcast %broadcast_in_dim3A_116 : vector<1x128xf32> to vector<256x128xf32>
    %select_n3A_118 = arith.select %lt3A_115, %broadcast_in_dim3A_117, %select_n3A_113 : vector<256x128xi1>, vector<256x128xf32>
    %min3A_119 = arith.minimumf %min3A_114, %slice3A_44 : vector<256x128xf32>
    %lt3A_120 = arith.cmpf olt, %slice3A_46, %min3A_119 : vector<256x128xf32>
    %broadcast_in_dim3A_121 = vector.shape_cast %slice3A_47 : vector<1x128xf32> to vector<1x128xf32>
    %broadcast_in_dim3A_122 = vector.broadcast %broadcast_in_dim3A_121 : vector<1x128xf32> to vector<256x128xf32>
    %select_n3A_123 = arith.select %lt3A_120, %broadcast_in_dim3A_122, %select_n3A_118 : vector<256x128xi1>, vector<256x128xf32>
    %min3A_124 = arith.minimumf %min3A_119, %slice3A_46 : vector<256x128xf32>
    %lt3A_125 = arith.cmpf olt, %slice3A_48, %min3A_124 : vector<256x128xf32>
    %broadcast_in_dim3A_126 = vector.shape_cast %slice3A_49 : vector<1x128xf32> to vector<1x128xf32>
    %broadcast_in_dim3A_127 = vector.broadcast %broadcast_in_dim3A_126 : vector<1x128xf32> to vector<256x128xf32>
    %select_n3A_128 = arith.select %lt3A_125, %broadcast_in_dim3A_127, %select_n3A_123 : vector<256x128xi1>, vector<256x128xf32>
    %min3A_129 = arith.minimumf %min3A_124, %slice3A_48 : vector<256x128xf32>
    %lt3A_130 = arith.cmpf olt, %slice3A_50, %min3A_129 : vector<256x128xf32>
    %broadcast_in_dim3A_131 = vector.shape_cast %slice3A_51 : vector<1x128xf32> to vector<1x128xf32>
    %broadcast_in_dim3A_132 = vector.broadcast %broadcast_in_dim3A_131 : vector<1x128xf32> to vector<256x128xf32>
    %select_n3A_133 = arith.select %lt3A_130, %broadcast_in_dim3A_132, %select_n3A_128 : vector<256x128xi1>, vector<256x128xf32>
    %min3A_134 = arith.minimumf %min3A_129, %slice3A_50 : vector<256x128xf32>
    %lt3A_135 = arith.cmpf olt, %slice3A_52, %min3A_134 : vector<256x128xf32>
    %broadcast_in_dim3A_136 = vector.shape_cast %slice3A_53 : vector<1x128xf32> to vector<1x128xf32>
    %broadcast_in_dim3A_137 = vector.broadcast %broadcast_in_dim3A_136 : vector<1x128xf32> to vector<256x128xf32>
    %select_n3A_138 = arith.select %lt3A_135, %broadcast_in_dim3A_137, %select_n3A_133 : vector<256x128xi1>, vector<256x128xf32>
    %min3A_139 = arith.minimumf %min3A_134, %slice3A_52 : vector<256x128xf32>
    %lt3A_140 = arith.cmpf olt, %slice3A_54, %min3A_139 : vector<256x128xf32>
    %broadcast_in_dim3A_141 = vector.shape_cast %slice3A_55 : vector<1x128xf32> to vector<1x128xf32>
    %broadcast_in_dim3A_142 = vector.broadcast %broadcast_in_dim3A_141 : vector<1x128xf32> to vector<256x128xf32>
    %select_n3A_143 = arith.select %lt3A_140, %broadcast_in_dim3A_142, %select_n3A_138 : vector<256x128xi1>, vector<256x128xf32>
    %min3A_144 = arith.minimumf %min3A_139, %slice3A_54 : vector<256x128xf32>
    %lt3A_145 = arith.cmpf olt, %slice3A_56, %min3A_144 : vector<256x128xf32>
    %broadcast_in_dim3A_146 = vector.shape_cast %slice3A_57 : vector<1x128xf32> to vector<1x128xf32>
    %broadcast_in_dim3A_147 = vector.broadcast %broadcast_in_dim3A_146 : vector<1x128xf32> to vector<256x128xf32>
    %select_n3A_148 = arith.select %lt3A_145, %broadcast_in_dim3A_147, %select_n3A_143 : vector<256x128xi1>, vector<256x128xf32>
    %min3A_149 = arith.minimumf %min3A_144, %slice3A_56 : vector<256x128xf32>
    %lt3A_150 = arith.cmpf olt, %slice3A_58, %min3A_149 : vector<256x128xf32>
    %broadcast_in_dim3A_151 = vector.shape_cast %slice3A_59 : vector<1x128xf32> to vector<1x128xf32>
    %broadcast_in_dim3A_152 = vector.broadcast %broadcast_in_dim3A_151 : vector<1x128xf32> to vector<256x128xf32>
    %select_n3A_153 = arith.select %lt3A_150, %broadcast_in_dim3A_152, %select_n3A_148 : vector<256x128xi1>, vector<256x128xf32>
    %min3A_154 = arith.minimumf %min3A_149, %slice3A_58 : vector<256x128xf32>
    %lt3A_155 = arith.cmpf olt, %slice3A_60, %min3A_154 : vector<256x128xf32>
    %broadcast_in_dim3A_156 = vector.shape_cast %slice3A_61 : vector<1x128xf32> to vector<1x128xf32>
    %broadcast_in_dim3A_157 = vector.broadcast %broadcast_in_dim3A_156 : vector<1x128xf32> to vector<256x128xf32>
    %select_n3A_158 = arith.select %lt3A_155, %broadcast_in_dim3A_157, %select_n3A_153 : vector<256x128xi1>, vector<256x128xf32>
    %min3A_159 = arith.minimumf %min3A_154, %slice3A_60 : vector<256x128xf32>
    %lt3A_160 = arith.cmpf olt, %slice3A_62, %min3A_159 : vector<256x128xf32>
    %broadcast_in_dim3A_161 = vector.shape_cast %slice3A_63 : vector<1x128xf32> to vector<1x128xf32>
    %broadcast_in_dim3A_162 = vector.broadcast %broadcast_in_dim3A_161 : vector<1x128xf32> to vector<256x128xf32>
    %select_n3A_163 = arith.select %lt3A_160, %broadcast_in_dim3A_162, %select_n3A_158 : vector<256x128xi1>, vector<256x128xf32>
    %min3A_164 = arith.minimumf %min3A_159, %slice3A_62 : vector<256x128xf32>
    %lt3A_165 = arith.cmpf olt, %slice3A_64, %min3A_164 : vector<256x128xf32>
    %broadcast_in_dim3A_166 = vector.shape_cast %slice3A_65 : vector<1x128xf32> to vector<1x128xf32>
    %broadcast_in_dim3A_167 = vector.broadcast %broadcast_in_dim3A_166 : vector<1x128xf32> to vector<256x128xf32>
    %select_n3A_168 = arith.select %lt3A_165, %broadcast_in_dim3A_167, %select_n3A_163 : vector<256x128xi1>, vector<256x128xf32>
    %min3A_169 = arith.minimumf %min3A_164, %slice3A_64 : vector<256x128xf32>
    %lt3A_170 = arith.cmpf olt, %select_n3A, %min3A_169 : vector<256x128xf32>
    %broadcast_in_dim3A_171 = vector.shape_cast %slice3A_17 : vector<1x128xf32> to vector<1x128xf32>
    %broadcast_in_dim3A_172 = vector.broadcast %broadcast_in_dim3A_171 : vector<1x128xf32> to vector<256x128xf32>
    %select_n3A_173 = arith.select %lt3A_170, %broadcast_in_dim3A_172, %select_n3A_168 : vector<256x128xi1>, vector<256x128xf32>
    %min3A_174 = arith.minimumf %min3A_169, %select_n3A : vector<256x128xf32>
    %reduce_min3A = arith.constant dense<0x7F800000> : vector<256xf32>
    %reduce_min3A_175 = vector.multi_reduction <minimumf>, %min3A_174, %reduce_min3A [1] : vector<256x128xf32> to vector<256xf32>
    %broadcast_in_dim3A_176 = vector.shape_cast %reduce_min3A_175 : vector<256xf32> to vector<256x1xf32>
    %eq3A = vector.broadcast %broadcast_in_dim3A_176 : vector<256x1xf32> to vector<256x128xf32>
    %eq3A_177 = arith.cmpf oeq, %min3A_174, %eq3A : vector<256x128xf32>
    %jit3A_178 = arith.constant 8.192000e+03 : f32
    %broadcast_in_dim3A_179 = vector.broadcast %jit3A_178 : f32 to vector<256x128xf32>
    %select_n3A_180 = arith.select %eq3A_177, %select_n3A_173, %broadcast_in_dim3A_179 : vector<256x128xi1>, vector<256x128xf32>
    %reduce_min3A_181 = arith.constant dense<0x7F800000> : vector<256xf32>
    %reduce_min3A_182 = vector.multi_reduction <minimumf>, %select_n3A_180, %reduce_min3A_181 [1] : vector<256x128xf32> to vector<256xf32>
    %broadcast_in_dim3A_183 = vector.shape_cast %reduce_min3A_182 : vector<256xf32> to vector<256x1xf32>
    %jit3A_184 = arith.constant 0x7F800000 : f32
    %broadcast_in_dim3A_185 = vector.shape_cast %lt3A_20 : vector<1x128xi1> to vector<1x128xi1>
    %broadcast_in_dim3A_186 = vector.broadcast %broadcast_in_dim3A_185 : vector<1x128xi1> to vector<256x128xi1>
    %broadcast_in_dim3A_187 = vector.broadcast %jit3A_184 : f32 to vector<256x128xf32>
    %select_n3A_188 = arith.select %broadcast_in_dim3A_186, %broadcast_in_dim3A_187, %slice3A : vector<256x128xi1>, vector<256x128xf32>
    %slice3A_189 = vector.extract_strided_slice %add3A_15 {offsets = [0, 2816], sizes = [256, 128], strides = [1, 1]} : vector<256x8192xf32> to vector<256x128xf32>
    %slice3A_190 = vector.extract_strided_slice %convert_element_type3A {offsets = [0, 2816], sizes = [1, 128], strides = [1, 1]} : vector<1x8192xf32> to vector<1x128xf32>
    %slice3A_191 = vector.extract_strided_slice %add3A_15 {offsets = [0, 2944], sizes = [256, 128], strides = [1, 1]} : vector<256x8192xf32> to vector<256x128xf32>
    %slice3A_192 = vector.extract_strided_slice %convert_element_type3A {offsets = [0, 2944], sizes = [1, 128], strides = [1, 1]} : vector<1x8192xf32> to vector<1x128xf32>
    %slice3A_193 = vector.extract_strided_slice %add3A_15 {offsets = [0, 3072], sizes = [256, 128], strides = [1, 1]} : vector<256x8192xf32> to vector<256x128xf32>
    %slice3A_194 = vector.extract_strided_slice %convert_element_type3A {offsets = [0, 3072], sizes = [1, 128], strides = [1, 1]} : vector<1x8192xf32> to vector<1x128xf32>
    %slice3A_195 = vector.extract_strided_slice %add3A_15 {offsets = [0, 3200], sizes = [256, 128], strides = [1, 1]} : vector<256x8192xf32> to vector<256x128xf32>
    %slice3A_196 = vector.extract_strided_slice %convert_element_type3A {offsets = [0, 3200], sizes = [1, 128], strides = [1, 1]} : vector<1x8192xf32> to vector<1x128xf32>
    %slice3A_197 = vector.extract_strided_slice %add3A_15 {offsets = [0, 3328], sizes = [256, 128], strides = [1, 1]} : vector<256x8192xf32> to vector<256x128xf32>
    %slice3A_198 = vector.extract_strided_slice %convert_element_type3A {offsets = [0, 3328], sizes = [1, 128], strides = [1, 1]} : vector<1x8192xf32> to vector<1x128xf32>
    %slice3A_199 = vector.extract_strided_slice %add3A_15 {offsets = [0, 3456], sizes = [256, 128], strides = [1, 1]} : vector<256x8192xf32> to vector<256x128xf32>
    %slice3A_200 = vector.extract_strided_slice %convert_element_type3A {offsets = [0, 3456], sizes = [1, 128], strides = [1, 1]} : vector<1x8192xf32> to vector<1x128xf32>
    %slice3A_201 = vector.extract_strided_slice %add3A_15 {offsets = [0, 3584], sizes = [256, 128], strides = [1, 1]} : vector<256x8192xf32> to vector<256x128xf32>
    %slice3A_202 = vector.extract_strided_slice %convert_element_type3A {offsets = [0, 3584], sizes = [1, 128], strides = [1, 1]} : vector<1x8192xf32> to vector<1x128xf32>
    %slice3A_203 = vector.extract_strided_slice %add3A_15 {offsets = [0, 3712], sizes = [256, 128], strides = [1, 1]} : vector<256x8192xf32> to vector<256x128xf32>
    %slice3A_204 = vector.extract_strided_slice %convert_element_type3A {offsets = [0, 3712], sizes = [1, 128], strides = [1, 1]} : vector<1x8192xf32> to vector<1x128xf32>
    %slice3A_205 = vector.extract_strided_slice %add3A_15 {offsets = [0, 3840], sizes = [256, 128], strides = [1, 1]} : vector<256x8192xf32> to vector<256x128xf32>
    %slice3A_206 = vector.extract_strided_slice %convert_element_type3A {offsets = [0, 3840], sizes = [1, 128], strides = [1, 1]} : vector<1x8192xf32> to vector<1x128xf32>
    %slice3A_207 = vector.extract_strided_slice %add3A_15 {offsets = [0, 3968], sizes = [256, 128], strides = [1, 1]} : vector<256x8192xf32> to vector<256x128xf32>
    %slice3A_208 = vector.extract_strided_slice %convert_element_type3A {offsets = [0, 3968], sizes = [1, 128], strides = [1, 1]} : vector<1x8192xf32> to vector<1x128xf32>
    %slice3A_209 = vector.extract_strided_slice %add3A_15 {offsets = [0, 4096], sizes = [256, 128], strides = [1, 1]} : vector<256x8192xf32> to vector<256x128xf32>
    %slice3A_210 = vector.extract_strided_slice %convert_element_type3A {offsets = [0, 4096], sizes = [1, 128], strides = [1, 1]} : vector<1x8192xf32> to vector<1x128xf32>
    %slice3A_211 = vector.extract_strided_slice %add3A_15 {offsets = [0, 4224], sizes = [256, 128], strides = [1, 1]} : vector<256x8192xf32> to vector<256x128xf32>
    %slice3A_212 = vector.extract_strided_slice %convert_element_type3A {offsets = [0, 4224], sizes = [1, 128], strides = [1, 1]} : vector<1x8192xf32> to vector<1x128xf32>
    %slice3A_213 = vector.extract_strided_slice %add3A_15 {offsets = [0, 4352], sizes = [256, 128], strides = [1, 1]} : vector<256x8192xf32> to vector<256x128xf32>
    %slice3A_214 = vector.extract_strided_slice %convert_element_type3A {offsets = [0, 4352], sizes = [1, 128], strides = [1, 1]} : vector<1x8192xf32> to vector<1x128xf32>
    %slice3A_215 = vector.extract_strided_slice %add3A_15 {offsets = [0, 4480], sizes = [256, 128], strides = [1, 1]} : vector<256x8192xf32> to vector<256x128xf32>
    %slice3A_216 = vector.extract_strided_slice %convert_element_type3A {offsets = [0, 4480], sizes = [1, 128], strides = [1, 1]} : vector<1x8192xf32> to vector<1x128xf32>
    %slice3A_217 = vector.extract_strided_slice %add3A_15 {offsets = [0, 4608], sizes = [256, 128], strides = [1, 1]} : vector<256x8192xf32> to vector<256x128xf32>
    %slice3A_218 = vector.extract_strided_slice %convert_element_type3A {offsets = [0, 4608], sizes = [1, 128], strides = [1, 1]} : vector<1x8192xf32> to vector<1x128xf32>
    %slice3A_219 = vector.extract_strided_slice %add3A_15 {offsets = [0, 4736], sizes = [256, 128], strides = [1, 1]} : vector<256x8192xf32> to vector<256x128xf32>
    %slice3A_220 = vector.extract_strided_slice %convert_element_type3A {offsets = [0, 4736], sizes = [1, 128], strides = [1, 1]} : vector<1x8192xf32> to vector<1x128xf32>
    %slice3A_221 = vector.extract_strided_slice %add3A_15 {offsets = [0, 4864], sizes = [256, 128], strides = [1, 1]} : vector<256x8192xf32> to vector<256x128xf32>
    %slice3A_222 = vector.extract_strided_slice %convert_element_type3A {offsets = [0, 4864], sizes = [1, 128], strides = [1, 1]} : vector<1x8192xf32> to vector<1x128xf32>
    %slice3A_223 = vector.extract_strided_slice %add3A_15 {offsets = [0, 4992], sizes = [256, 128], strides = [1, 1]} : vector<256x8192xf32> to vector<256x128xf32>
    %slice3A_224 = vector.extract_strided_slice %convert_element_type3A {offsets = [0, 4992], sizes = [1, 128], strides = [1, 1]} : vector<1x8192xf32> to vector<1x128xf32>
    %slice3A_225 = vector.extract_strided_slice %add3A_15 {offsets = [0, 5120], sizes = [256, 128], strides = [1, 1]} : vector<256x8192xf32> to vector<256x128xf32>
    %slice3A_226 = vector.extract_strided_slice %convert_element_type3A {offsets = [0, 5120], sizes = [1, 128], strides = [1, 1]} : vector<1x8192xf32> to vector<1x128xf32>
    %slice3A_227 = vector.extract_strided_slice %add3A_15 {offsets = [0, 5248], sizes = [256, 128], strides = [1, 1]} : vector<256x8192xf32> to vector<256x128xf32>
    %slice3A_228 = vector.extract_strided_slice %convert_element_type3A {offsets = [0, 5248], sizes = [1, 128], strides = [1, 1]} : vector<1x8192xf32> to vector<1x128xf32>
    %jit3A_229 = arith.constant 0x7F800000 : f32
    %broadcast_in_dim3A_230 = vector.shape_cast %lt3A_23 : vector<1x128xi1> to vector<1x128xi1>
    %broadcast_in_dim3A_231 = vector.broadcast %broadcast_in_dim3A_230 : vector<1x128xi1> to vector<256x128xi1>
    %broadcast_in_dim3A_232 = vector.broadcast %jit3A_229 : f32 to vector<256x128xf32>
    %select_n3A_233 = arith.select %broadcast_in_dim3A_231, %slice3A_16, %broadcast_in_dim3A_232 : vector<256x128xi1>, vector<256x128xf32>
    %broadcast_in_dim3A_234 = vector.shape_cast %slice3A_17 : vector<1x128xf32> to vector<1x128xf32>
    %broadcast_in_dim3A_235 = vector.broadcast %broadcast_in_dim3A_234 : vector<1x128xf32> to vector<256x128xf32>
    %lt3A_236 = arith.cmpf olt, %slice3A_189, %select_n3A_188 : vector<256x128xf32>
    %broadcast_in_dim3A_237 = vector.shape_cast %slice3A_190 : vector<1x128xf32> to vector<1x128xf32>
    %broadcast_in_dim3A_238 = vector.broadcast %broadcast_in_dim3A_237 : vector<1x128xf32> to vector<256x128xf32>
    %select_n3A_239 = arith.select %lt3A_236, %broadcast_in_dim3A_238, %broadcast_in_dim3A_235 : vector<256x128xi1>, vector<256x128xf32>
    %min3A_240 = arith.minimumf %select_n3A_188, %slice3A_189 : vector<256x128xf32>
    %lt3A_241 = arith.cmpf olt, %slice3A_191, %min3A_240 : vector<256x128xf32>
    %broadcast_in_dim3A_242 = vector.shape_cast %slice3A_192 : vector<1x128xf32> to vector<1x128xf32>
    %broadcast_in_dim3A_243 = vector.broadcast %broadcast_in_dim3A_242 : vector<1x128xf32> to vector<256x128xf32>
    %select_n3A_244 = arith.select %lt3A_241, %broadcast_in_dim3A_243, %select_n3A_239 : vector<256x128xi1>, vector<256x128xf32>
    %min3A_245 = arith.minimumf %min3A_240, %slice3A_191 : vector<256x128xf32>
    %lt3A_246 = arith.cmpf olt, %slice3A_193, %min3A_245 : vector<256x128xf32>
    %broadcast_in_dim3A_247 = vector.shape_cast %slice3A_194 : vector<1x128xf32> to vector<1x128xf32>
    %broadcast_in_dim3A_248 = vector.broadcast %broadcast_in_dim3A_247 : vector<1x128xf32> to vector<256x128xf32>
    %select_n3A_249 = arith.select %lt3A_246, %broadcast_in_dim3A_248, %select_n3A_244 : vector<256x128xi1>, vector<256x128xf32>
    %min3A_250 = arith.minimumf %min3A_245, %slice3A_193 : vector<256x128xf32>
    %lt3A_251 = arith.cmpf olt, %slice3A_195, %min3A_250 : vector<256x128xf32>
    %broadcast_in_dim3A_252 = vector.shape_cast %slice3A_196 : vector<1x128xf32> to vector<1x128xf32>
    %broadcast_in_dim3A_253 = vector.broadcast %broadcast_in_dim3A_252 : vector<1x128xf32> to vector<256x128xf32>
    %select_n3A_254 = arith.select %lt3A_251, %broadcast_in_dim3A_253, %select_n3A_249 : vector<256x128xi1>, vector<256x128xf32>
    %min3A_255 = arith.minimumf %min3A_250, %slice3A_195 : vector<256x128xf32>
    %lt3A_256 = arith.cmpf olt, %slice3A_197, %min3A_255 : vector<256x128xf32>
    %broadcast_in_dim3A_257 = vector.shape_cast %slice3A_198 : vector<1x128xf32> to vector<1x128xf32>
    %broadcast_in_dim3A_258 = vector.broadcast %broadcast_in_dim3A_257 : vector<1x128xf32> to vector<256x128xf32>
    %select_n3A_259 = arith.select %lt3A_256, %broadcast_in_dim3A_258, %select_n3A_254 : vector<256x128xi1>, vector<256x128xf32>
    %min3A_260 = arith.minimumf %min3A_255, %slice3A_197 : vector<256x128xf32>
    %lt3A_261 = arith.cmpf olt, %slice3A_199, %min3A_260 : vector<256x128xf32>
    %broadcast_in_dim3A_262 = vector.shape_cast %slice3A_200 : vector<1x128xf32> to vector<1x128xf32>
    %broadcast_in_dim3A_263 = vector.broadcast %broadcast_in_dim3A_262 : vector<1x128xf32> to vector<256x128xf32>
    %select_n3A_264 = arith.select %lt3A_261, %broadcast_in_dim3A_263, %select_n3A_259 : vector<256x128xi1>, vector<256x128xf32>
    %min3A_265 = arith.minimumf %min3A_260, %slice3A_199 : vector<256x128xf32>
    %lt3A_266 = arith.cmpf olt, %slice3A_201, %min3A_265 : vector<256x128xf32>
    %broadcast_in_dim3A_267 = vector.shape_cast %slice3A_202 : vector<1x128xf32> to vector<1x128xf32>
    %broadcast_in_dim3A_268 = vector.broadcast %broadcast_in_dim3A_267 : vector<1x128xf32> to vector<256x128xf32>
    %select_n3A_269 = arith.select %lt3A_266, %broadcast_in_dim3A_268, %select_n3A_264 : vector<256x128xi1>, vector<256x128xf32>
    %min3A_270 = arith.minimumf %min3A_265, %slice3A_201 : vector<256x128xf32>
    %lt3A_271 = arith.cmpf olt, %slice3A_203, %min3A_270 : vector<256x128xf32>
    %broadcast_in_dim3A_272 = vector.shape_cast %slice3A_204 : vector<1x128xf32> to vector<1x128xf32>
    %broadcast_in_dim3A_273 = vector.broadcast %broadcast_in_dim3A_272 : vector<1x128xf32> to vector<256x128xf32>
    %select_n3A_274 = arith.select %lt3A_271, %broadcast_in_dim3A_273, %select_n3A_269 : vector<256x128xi1>, vector<256x128xf32>
    %min3A_275 = arith.minimumf %min3A_270, %slice3A_203 : vector<256x128xf32>
    %lt3A_276 = arith.cmpf olt, %slice3A_205, %min3A_275 : vector<256x128xf32>
    %broadcast_in_dim3A_277 = vector.shape_cast %slice3A_206 : vector<1x128xf32> to vector<1x128xf32>
    %broadcast_in_dim3A_278 = vector.broadcast %broadcast_in_dim3A_277 : vector<1x128xf32> to vector<256x128xf32>
    %select_n3A_279 = arith.select %lt3A_276, %broadcast_in_dim3A_278, %select_n3A_274 : vector<256x128xi1>, vector<256x128xf32>
    %min3A_280 = arith.minimumf %min3A_275, %slice3A_205 : vector<256x128xf32>
    %lt3A_281 = arith.cmpf olt, %slice3A_207, %min3A_280 : vector<256x128xf32>
    %broadcast_in_dim3A_282 = vector.shape_cast %slice3A_208 : vector<1x128xf32> to vector<1x128xf32>
    %broadcast_in_dim3A_283 = vector.broadcast %broadcast_in_dim3A_282 : vector<1x128xf32> to vector<256x128xf32>
    %select_n3A_284 = arith.select %lt3A_281, %broadcast_in_dim3A_283, %select_n3A_279 : vector<256x128xi1>, vector<256x128xf32>
    %min3A_285 = arith.minimumf %min3A_280, %slice3A_207 : vector<256x128xf32>
    %lt3A_286 = arith.cmpf olt, %slice3A_209, %min3A_285 : vector<256x128xf32>
    %broadcast_in_dim3A_287 = vector.shape_cast %slice3A_210 : vector<1x128xf32> to vector<1x128xf32>
    %broadcast_in_dim3A_288 = vector.broadcast %broadcast_in_dim3A_287 : vector<1x128xf32> to vector<256x128xf32>
    %select_n3A_289 = arith.select %lt3A_286, %broadcast_in_dim3A_288, %select_n3A_284 : vector<256x128xi1>, vector<256x128xf32>
    %min3A_290 = arith.minimumf %min3A_285, %slice3A_209 : vector<256x128xf32>
    %lt3A_291 = arith.cmpf olt, %slice3A_211, %min3A_290 : vector<256x128xf32>
    %broadcast_in_dim3A_292 = vector.shape_cast %slice3A_212 : vector<1x128xf32> to vector<1x128xf32>
    %broadcast_in_dim3A_293 = vector.broadcast %broadcast_in_dim3A_292 : vector<1x128xf32> to vector<256x128xf32>
    %select_n3A_294 = arith.select %lt3A_291, %broadcast_in_dim3A_293, %select_n3A_289 : vector<256x128xi1>, vector<256x128xf32>
    %min3A_295 = arith.minimumf %min3A_290, %slice3A_211 : vector<256x128xf32>
    %lt3A_296 = arith.cmpf olt, %slice3A_213, %min3A_295 : vector<256x128xf32>
    %broadcast_in_dim3A_297 = vector.shape_cast %slice3A_214 : vector<1x128xf32> to vector<1x128xf32>
    %broadcast_in_dim3A_298 = vector.broadcast %broadcast_in_dim3A_297 : vector<1x128xf32> to vector<256x128xf32>
    %select_n3A_299 = arith.select %lt3A_296, %broadcast_in_dim3A_298, %select_n3A_294 : vector<256x128xi1>, vector<256x128xf32>
    %min3A_300 = arith.minimumf %min3A_295, %slice3A_213 : vector<256x128xf32>
    %lt3A_301 = arith.cmpf olt, %slice3A_215, %min3A_300 : vector<256x128xf32>
    %broadcast_in_dim3A_302 = vector.shape_cast %slice3A_216 : vector<1x128xf32> to vector<1x128xf32>
    %broadcast_in_dim3A_303 = vector.broadcast %broadcast_in_dim3A_302 : vector<1x128xf32> to vector<256x128xf32>
    %select_n3A_304 = arith.select %lt3A_301, %broadcast_in_dim3A_303, %select_n3A_299 : vector<256x128xi1>, vector<256x128xf32>
    %min3A_305 = arith.minimumf %min3A_300, %slice3A_215 : vector<256x128xf32>
    %lt3A_306 = arith.cmpf olt, %slice3A_217, %min3A_305 : vector<256x128xf32>
    %broadcast_in_dim3A_307 = vector.shape_cast %slice3A_218 : vector<1x128xf32> to vector<1x128xf32>
    %broadcast_in_dim3A_308 = vector.broadcast %broadcast_in_dim3A_307 : vector<1x128xf32> to vector<256x128xf32>
    %select_n3A_309 = arith.select %lt3A_306, %broadcast_in_dim3A_308, %select_n3A_304 : vector<256x128xi1>, vector<256x128xf32>
    %min3A_310 = arith.minimumf %min3A_305, %slice3A_217 : vector<256x128xf32>
    %lt3A_311 = arith.cmpf olt, %slice3A_219, %min3A_310 : vector<256x128xf32>
    %broadcast_in_dim3A_312 = vector.shape_cast %slice3A_220 : vector<1x128xf32> to vector<1x128xf32>
    %broadcast_in_dim3A_313 = vector.broadcast %broadcast_in_dim3A_312 : vector<1x128xf32> to vector<256x128xf32>
    %select_n3A_314 = arith.select %lt3A_311, %broadcast_in_dim3A_313, %select_n3A_309 : vector<256x128xi1>, vector<256x128xf32>
    %min3A_315 = arith.minimumf %min3A_310, %slice3A_219 : vector<256x128xf32>
    %lt3A_316 = arith.cmpf olt, %slice3A_221, %min3A_315 : vector<256x128xf32>
    %broadcast_in_dim3A_317 = vector.shape_cast %slice3A_222 : vector<1x128xf32> to vector<1x128xf32>
    %broadcast_in_dim3A_318 = vector.broadcast %broadcast_in_dim3A_317 : vector<1x128xf32> to vector<256x128xf32>
    %select_n3A_319 = arith.select %lt3A_316, %broadcast_in_dim3A_318, %select_n3A_314 : vector<256x128xi1>, vector<256x128xf32>
    %min3A_320 = arith.minimumf %min3A_315, %slice3A_221 : vector<256x128xf32>
    %lt3A_321 = arith.cmpf olt, %slice3A_223, %min3A_320 : vector<256x128xf32>
    %broadcast_in_dim3A_322 = vector.shape_cast %slice3A_224 : vector<1x128xf32> to vector<1x128xf32>
    %broadcast_in_dim3A_323 = vector.broadcast %broadcast_in_dim3A_322 : vector<1x128xf32> to vector<256x128xf32>
    %select_n3A_324 = arith.select %lt3A_321, %broadcast_in_dim3A_323, %select_n3A_319 : vector<256x128xi1>, vector<256x128xf32>
    %min3A_325 = arith.minimumf %min3A_320, %slice3A_223 : vector<256x128xf32>
    %lt3A_326 = arith.cmpf olt, %slice3A_225, %min3A_325 : vector<256x128xf32>
    %broadcast_in_dim3A_327 = vector.shape_cast %slice3A_226 : vector<1x128xf32> to vector<1x128xf32>
    %broadcast_in_dim3A_328 = vector.broadcast %broadcast_in_dim3A_327 : vector<1x128xf32> to vector<256x128xf32>
    %select_n3A_329 = arith.select %lt3A_326, %broadcast_in_dim3A_328, %select_n3A_324 : vector<256x128xi1>, vector<256x128xf32>
    %min3A_330 = arith.minimumf %min3A_325, %slice3A_225 : vector<256x128xf32>
    %lt3A_331 = arith.cmpf olt, %slice3A_227, %min3A_330 : vector<256x128xf32>
    %broadcast_in_dim3A_332 = vector.shape_cast %slice3A_228 : vector<1x128xf32> to vector<1x128xf32>
    %broadcast_in_dim3A_333 = vector.broadcast %broadcast_in_dim3A_332 : vector<1x128xf32> to vector<256x128xf32>
    %select_n3A_334 = arith.select %lt3A_331, %broadcast_in_dim3A_333, %select_n3A_329 : vector<256x128xi1>, vector<256x128xf32>
    %min3A_335 = arith.minimumf %min3A_330, %slice3A_227 : vector<256x128xf32>
    %lt3A_336 = arith.cmpf olt, %select_n3A_233, %min3A_335 : vector<256x128xf32>
    %broadcast_in_dim3A_337 = vector.shape_cast %slice3A_18 : vector<1x128xf32> to vector<1x128xf32>
    %broadcast_in_dim3A_338 = vector.broadcast %broadcast_in_dim3A_337 : vector<1x128xf32> to vector<256x128xf32>
    %select_n3A_339 = arith.select %lt3A_336, %broadcast_in_dim3A_338, %select_n3A_334 : vector<256x128xi1>, vector<256x128xf32>
    %min3A_340 = arith.minimumf %min3A_335, %select_n3A_233 : vector<256x128xf32>
    %reduce_min3A_341 = arith.constant dense<0x7F800000> : vector<256xf32>
    %reduce_min3A_342 = vector.multi_reduction <minimumf>, %min3A_340, %reduce_min3A_341 [1] : vector<256x128xf32> to vector<256xf32>
    %broadcast_in_dim3A_343 = vector.shape_cast %reduce_min3A_342 : vector<256xf32> to vector<256x1xf32>
    %eq3A_344 = vector.broadcast %broadcast_in_dim3A_343 : vector<256x1xf32> to vector<256x128xf32>
    %eq3A_345 = arith.cmpf oeq, %min3A_340, %eq3A_344 : vector<256x128xf32>
    %jit3A_346 = arith.constant 8.192000e+03 : f32
    %broadcast_in_dim3A_347 = vector.broadcast %jit3A_346 : f32 to vector<256x128xf32>
    %select_n3A_348 = arith.select %eq3A_345, %select_n3A_339, %broadcast_in_dim3A_347 : vector<256x128xi1>, vector<256x128xf32>
    %reduce_min3A_349 = arith.constant dense<0x7F800000> : vector<256xf32>
    %reduce_min3A_350 = vector.multi_reduction <minimumf>, %select_n3A_348, %reduce_min3A_349 [1] : vector<256x128xf32> to vector<256xf32>
    %broadcast_in_dim3A_351 = vector.shape_cast %reduce_min3A_350 : vector<256xf32> to vector<256x1xf32>
    %jit3A_352 = arith.constant 0x7F800000 : f32
    %broadcast_in_dim3A_353 = vector.shape_cast %lt3A_23 : vector<1x128xi1> to vector<1x128xi1>
    %broadcast_in_dim3A_354 = vector.broadcast %broadcast_in_dim3A_353 : vector<1x128xi1> to vector<256x128xi1>
    %broadcast_in_dim3A_355 = vector.broadcast %jit3A_352 : f32 to vector<256x128xf32>
    %select_n3A_356 = arith.select %broadcast_in_dim3A_354, %broadcast_in_dim3A_355, %slice3A_16 : vector<256x128xi1>, vector<256x128xf32>
    %slice3A_357 = vector.extract_strided_slice %add3A_15 {offsets = [0, 5504], sizes = [256, 128], strides = [1, 1]} : vector<256x8192xf32> to vector<256x128xf32>
    %slice3A_358 = vector.extract_strided_slice %convert_element_type3A {offsets = [0, 5504], sizes = [1, 128], strides = [1, 1]} : vector<1x8192xf32> to vector<1x128xf32>
    %slice3A_359 = vector.extract_strided_slice %add3A_15 {offsets = [0, 5632], sizes = [256, 128], strides = [1, 1]} : vector<256x8192xf32> to vector<256x128xf32>
    %slice3A_360 = vector.extract_strided_slice %convert_element_type3A {offsets = [0, 5632], sizes = [1, 128], strides = [1, 1]} : vector<1x8192xf32> to vector<1x128xf32>
    %slice3A_361 = vector.extract_strided_slice %add3A_15 {offsets = [0, 5760], sizes = [256, 128], strides = [1, 1]} : vector<256x8192xf32> to vector<256x128xf32>
    %slice3A_362 = vector.extract_strided_slice %convert_element_type3A {offsets = [0, 5760], sizes = [1, 128], strides = [1, 1]} : vector<1x8192xf32> to vector<1x128xf32>
    %slice3A_363 = vector.extract_strided_slice %add3A_15 {offsets = [0, 5888], sizes = [256, 128], strides = [1, 1]} : vector<256x8192xf32> to vector<256x128xf32>
    %slice3A_364 = vector.extract_strided_slice %convert_element_type3A {offsets = [0, 5888], sizes = [1, 128], strides = [1, 1]} : vector<1x8192xf32> to vector<1x128xf32>
    %slice3A_365 = vector.extract_strided_slice %add3A_15 {offsets = [0, 6016], sizes = [256, 128], strides = [1, 1]} : vector<256x8192xf32> to vector<256x128xf32>
    %slice3A_366 = vector.extract_strided_slice %convert_element_type3A {offsets = [0, 6016], sizes = [1, 128], strides = [1, 1]} : vector<1x8192xf32> to vector<1x128xf32>
    %slice3A_367 = vector.extract_strided_slice %add3A_15 {offsets = [0, 6144], sizes = [256, 128], strides = [1, 1]} : vector<256x8192xf32> to vector<256x128xf32>
    %slice3A_368 = vector.extract_strided_slice %convert_element_type3A {offsets = [0, 6144], sizes = [1, 128], strides = [1, 1]} : vector<1x8192xf32> to vector<1x128xf32>
    %slice3A_369 = vector.extract_strided_slice %add3A_15 {offsets = [0, 6272], sizes = [256, 128], strides = [1, 1]} : vector<256x8192xf32> to vector<256x128xf32>
    %slice3A_370 = vector.extract_strided_slice %convert_element_type3A {offsets = [0, 6272], sizes = [1, 128], strides = [1, 1]} : vector<1x8192xf32> to vector<1x128xf32>
    %slice3A_371 = vector.extract_strided_slice %add3A_15 {offsets = [0, 6400], sizes = [256, 128], strides = [1, 1]} : vector<256x8192xf32> to vector<256x128xf32>
    %slice3A_372 = vector.extract_strided_slice %convert_element_type3A {offsets = [0, 6400], sizes = [1, 128], strides = [1, 1]} : vector<1x8192xf32> to vector<1x128xf32>
    %slice3A_373 = vector.extract_strided_slice %add3A_15 {offsets = [0, 6528], sizes = [256, 128], strides = [1, 1]} : vector<256x8192xf32> to vector<256x128xf32>
    %slice3A_374 = vector.extract_strided_slice %convert_element_type3A {offsets = [0, 6528], sizes = [1, 128], strides = [1, 1]} : vector<1x8192xf32> to vector<1x128xf32>
    %slice3A_375 = vector.extract_strided_slice %add3A_15 {offsets = [0, 6656], sizes = [256, 128], strides = [1, 1]} : vector<256x8192xf32> to vector<256x128xf32>
    %slice3A_376 = vector.extract_strided_slice %convert_element_type3A {offsets = [0, 6656], sizes = [1, 128], strides = [1, 1]} : vector<1x8192xf32> to vector<1x128xf32>
    %slice3A_377 = vector.extract_strided_slice %add3A_15 {offsets = [0, 6784], sizes = [256, 128], strides = [1, 1]} : vector<256x8192xf32> to vector<256x128xf32>
    %slice3A_378 = vector.extract_strided_slice %convert_element_type3A {offsets = [0, 6784], sizes = [1, 128], strides = [1, 1]} : vector<1x8192xf32> to vector<1x128xf32>
    %slice3A_379 = vector.extract_strided_slice %add3A_15 {offsets = [0, 6912], sizes = [256, 128], strides = [1, 1]} : vector<256x8192xf32> to vector<256x128xf32>
    %slice3A_380 = vector.extract_strided_slice %convert_element_type3A {offsets = [0, 6912], sizes = [1, 128], strides = [1, 1]} : vector<1x8192xf32> to vector<1x128xf32>
    %slice3A_381 = vector.extract_strided_slice %add3A_15 {offsets = [0, 7040], sizes = [256, 128], strides = [1, 1]} : vector<256x8192xf32> to vector<256x128xf32>
    %slice3A_382 = vector.extract_strided_slice %convert_element_type3A {offsets = [0, 7040], sizes = [1, 128], strides = [1, 1]} : vector<1x8192xf32> to vector<1x128xf32>
    %slice3A_383 = vector.extract_strided_slice %add3A_15 {offsets = [0, 7168], sizes = [256, 128], strides = [1, 1]} : vector<256x8192xf32> to vector<256x128xf32>
    %slice3A_384 = vector.extract_strided_slice %convert_element_type3A {offsets = [0, 7168], sizes = [1, 128], strides = [1, 1]} : vector<1x8192xf32> to vector<1x128xf32>
    %slice3A_385 = vector.extract_strided_slice %add3A_15 {offsets = [0, 7296], sizes = [256, 128], strides = [1, 1]} : vector<256x8192xf32> to vector<256x128xf32>
    %slice3A_386 = vector.extract_strided_slice %convert_element_type3A {offsets = [0, 7296], sizes = [1, 128], strides = [1, 1]} : vector<1x8192xf32> to vector<1x128xf32>
    %slice3A_387 = vector.extract_strided_slice %add3A_15 {offsets = [0, 7424], sizes = [256, 128], strides = [1, 1]} : vector<256x8192xf32> to vector<256x128xf32>
    %slice3A_388 = vector.extract_strided_slice %convert_element_type3A {offsets = [0, 7424], sizes = [1, 128], strides = [1, 1]} : vector<1x8192xf32> to vector<1x128xf32>
    %slice3A_389 = vector.extract_strided_slice %add3A_15 {offsets = [0, 7552], sizes = [256, 128], strides = [1, 1]} : vector<256x8192xf32> to vector<256x128xf32>
    %slice3A_390 = vector.extract_strided_slice %convert_element_type3A {offsets = [0, 7552], sizes = [1, 128], strides = [1, 1]} : vector<1x8192xf32> to vector<1x128xf32>
    %slice3A_391 = vector.extract_strided_slice %add3A_15 {offsets = [0, 7680], sizes = [256, 128], strides = [1, 1]} : vector<256x8192xf32> to vector<256x128xf32>
    %slice3A_392 = vector.extract_strided_slice %convert_element_type3A {offsets = [0, 7680], sizes = [1, 128], strides = [1, 1]} : vector<1x8192xf32> to vector<1x128xf32>
    %slice3A_393 = vector.extract_strided_slice %add3A_15 {offsets = [0, 7808], sizes = [256, 128], strides = [1, 1]} : vector<256x8192xf32> to vector<256x128xf32>
    %slice3A_394 = vector.extract_strided_slice %convert_element_type3A {offsets = [0, 7808], sizes = [1, 128], strides = [1, 1]} : vector<1x8192xf32> to vector<1x128xf32>
    %slice3A_395 = vector.extract_strided_slice %add3A_15 {offsets = [0, 7936], sizes = [256, 128], strides = [1, 1]} : vector<256x8192xf32> to vector<256x128xf32>
    %slice3A_396 = vector.extract_strided_slice %convert_element_type3A {offsets = [0, 7936], sizes = [1, 128], strides = [1, 1]} : vector<1x8192xf32> to vector<1x128xf32>
    %slice3A_397 = vector.extract_strided_slice %add3A_15 {offsets = [0, 8064], sizes = [256, 128], strides = [1, 1]} : vector<256x8192xf32> to vector<256x128xf32>
    %slice3A_398 = vector.extract_strided_slice %convert_element_type3A {offsets = [0, 8064], sizes = [1, 128], strides = [1, 1]} : vector<1x8192xf32> to vector<1x128xf32>
    %broadcast_in_dim3A_399 = vector.shape_cast %slice3A_18 : vector<1x128xf32> to vector<1x128xf32>
    %broadcast_in_dim3A_400 = vector.broadcast %broadcast_in_dim3A_399 : vector<1x128xf32> to vector<256x128xf32>
    %lt3A_401 = arith.cmpf olt, %slice3A_357, %select_n3A_356 : vector<256x128xf32>
    %broadcast_in_dim3A_402 = vector.shape_cast %slice3A_358 : vector<1x128xf32> to vector<1x128xf32>
    %broadcast_in_dim3A_403 = vector.broadcast %broadcast_in_dim3A_402 : vector<1x128xf32> to vector<256x128xf32>
    %select_n3A_404 = arith.select %lt3A_401, %broadcast_in_dim3A_403, %broadcast_in_dim3A_400 : vector<256x128xi1>, vector<256x128xf32>
    %min3A_405 = arith.minimumf %select_n3A_356, %slice3A_357 : vector<256x128xf32>
    %lt3A_406 = arith.cmpf olt, %slice3A_359, %min3A_405 : vector<256x128xf32>
    %broadcast_in_dim3A_407 = vector.shape_cast %slice3A_360 : vector<1x128xf32> to vector<1x128xf32>
    %broadcast_in_dim3A_408 = vector.broadcast %broadcast_in_dim3A_407 : vector<1x128xf32> to vector<256x128xf32>
    %select_n3A_409 = arith.select %lt3A_406, %broadcast_in_dim3A_408, %select_n3A_404 : vector<256x128xi1>, vector<256x128xf32>
    %min3A_410 = arith.minimumf %min3A_405, %slice3A_359 : vector<256x128xf32>
    %lt3A_411 = arith.cmpf olt, %slice3A_361, %min3A_410 : vector<256x128xf32>
    %broadcast_in_dim3A_412 = vector.shape_cast %slice3A_362 : vector<1x128xf32> to vector<1x128xf32>
    %broadcast_in_dim3A_413 = vector.broadcast %broadcast_in_dim3A_412 : vector<1x128xf32> to vector<256x128xf32>
    %select_n3A_414 = arith.select %lt3A_411, %broadcast_in_dim3A_413, %select_n3A_409 : vector<256x128xi1>, vector<256x128xf32>
    %min3A_415 = arith.minimumf %min3A_410, %slice3A_361 : vector<256x128xf32>
    %lt3A_416 = arith.cmpf olt, %slice3A_363, %min3A_415 : vector<256x128xf32>
    %broadcast_in_dim3A_417 = vector.shape_cast %slice3A_364 : vector<1x128xf32> to vector<1x128xf32>
    %broadcast_in_dim3A_418 = vector.broadcast %broadcast_in_dim3A_417 : vector<1x128xf32> to vector<256x128xf32>
    %select_n3A_419 = arith.select %lt3A_416, %broadcast_in_dim3A_418, %select_n3A_414 : vector<256x128xi1>, vector<256x128xf32>
    %min3A_420 = arith.minimumf %min3A_415, %slice3A_363 : vector<256x128xf32>
    %lt3A_421 = arith.cmpf olt, %slice3A_365, %min3A_420 : vector<256x128xf32>
    %broadcast_in_dim3A_422 = vector.shape_cast %slice3A_366 : vector<1x128xf32> to vector<1x128xf32>
    %broadcast_in_dim3A_423 = vector.broadcast %broadcast_in_dim3A_422 : vector<1x128xf32> to vector<256x128xf32>
    %select_n3A_424 = arith.select %lt3A_421, %broadcast_in_dim3A_423, %select_n3A_419 : vector<256x128xi1>, vector<256x128xf32>
    %min3A_425 = arith.minimumf %min3A_420, %slice3A_365 : vector<256x128xf32>
    %lt3A_426 = arith.cmpf olt, %slice3A_367, %min3A_425 : vector<256x128xf32>
    %broadcast_in_dim3A_427 = vector.shape_cast %slice3A_368 : vector<1x128xf32> to vector<1x128xf32>
    %broadcast_in_dim3A_428 = vector.broadcast %broadcast_in_dim3A_427 : vector<1x128xf32> to vector<256x128xf32>
    %select_n3A_429 = arith.select %lt3A_426, %broadcast_in_dim3A_428, %select_n3A_424 : vector<256x128xi1>, vector<256x128xf32>
    %min3A_430 = arith.minimumf %min3A_425, %slice3A_367 : vector<256x128xf32>
    %lt3A_431 = arith.cmpf olt, %slice3A_369, %min3A_430 : vector<256x128xf32>
    %broadcast_in_dim3A_432 = vector.shape_cast %slice3A_370 : vector<1x128xf32> to vector<1x128xf32>
    %broadcast_in_dim3A_433 = vector.broadcast %broadcast_in_dim3A_432 : vector<1x128xf32> to vector<256x128xf32>
    %select_n3A_434 = arith.select %lt3A_431, %broadcast_in_dim3A_433, %select_n3A_429 : vector<256x128xi1>, vector<256x128xf32>
    %min3A_435 = arith.minimumf %min3A_430, %slice3A_369 : vector<256x128xf32>
    %lt3A_436 = arith.cmpf olt, %slice3A_371, %min3A_435 : vector<256x128xf32>
    %broadcast_in_dim3A_437 = vector.shape_cast %slice3A_372 : vector<1x128xf32> to vector<1x128xf32>
    %broadcast_in_dim3A_438 = vector.broadcast %broadcast_in_dim3A_437 : vector<1x128xf32> to vector<256x128xf32>
    %select_n3A_439 = arith.select %lt3A_436, %broadcast_in_dim3A_438, %select_n3A_434 : vector<256x128xi1>, vector<256x128xf32>
    %min3A_440 = arith.minimumf %min3A_435, %slice3A_371 : vector<256x128xf32>
    %lt3A_441 = arith.cmpf olt, %slice3A_373, %min3A_440 : vector<256x128xf32>
    %broadcast_in_dim3A_442 = vector.shape_cast %slice3A_374 : vector<1x128xf32> to vector<1x128xf32>
    %broadcast_in_dim3A_443 = vector.broadcast %broadcast_in_dim3A_442 : vector<1x128xf32> to vector<256x128xf32>
    %select_n3A_444 = arith.select %lt3A_441, %broadcast_in_dim3A_443, %select_n3A_439 : vector<256x128xi1>, vector<256x128xf32>
    %min3A_445 = arith.minimumf %min3A_440, %slice3A_373 : vector<256x128xf32>
    %lt3A_446 = arith.cmpf olt, %slice3A_375, %min3A_445 : vector<256x128xf32>
    %broadcast_in_dim3A_447 = vector.shape_cast %slice3A_376 : vector<1x128xf32> to vector<1x128xf32>
    %broadcast_in_dim3A_448 = vector.broadcast %broadcast_in_dim3A_447 : vector<1x128xf32> to vector<256x128xf32>
    %select_n3A_449 = arith.select %lt3A_446, %broadcast_in_dim3A_448, %select_n3A_444 : vector<256x128xi1>, vector<256x128xf32>
    %min3A_450 = arith.minimumf %min3A_445, %slice3A_375 : vector<256x128xf32>
    %lt3A_451 = arith.cmpf olt, %slice3A_377, %min3A_450 : vector<256x128xf32>
    %broadcast_in_dim3A_452 = vector.shape_cast %slice3A_378 : vector<1x128xf32> to vector<1x128xf32>
    %broadcast_in_dim3A_453 = vector.broadcast %broadcast_in_dim3A_452 : vector<1x128xf32> to vector<256x128xf32>
    %select_n3A_454 = arith.select %lt3A_451, %broadcast_in_dim3A_453, %select_n3A_449 : vector<256x128xi1>, vector<256x128xf32>
    %min3A_455 = arith.minimumf %min3A_450, %slice3A_377 : vector<256x128xf32>
    %lt3A_456 = arith.cmpf olt, %slice3A_379, %min3A_455 : vector<256x128xf32>
    %broadcast_in_dim3A_457 = vector.shape_cast %slice3A_380 : vector<1x128xf32> to vector<1x128xf32>
    %broadcast_in_dim3A_458 = vector.broadcast %broadcast_in_dim3A_457 : vector<1x128xf32> to vector<256x128xf32>
    %select_n3A_459 = arith.select %lt3A_456, %broadcast_in_dim3A_458, %select_n3A_454 : vector<256x128xi1>, vector<256x128xf32>
    %min3A_460 = arith.minimumf %min3A_455, %slice3A_379 : vector<256x128xf32>
    %lt3A_461 = arith.cmpf olt, %slice3A_381, %min3A_460 : vector<256x128xf32>
    %broadcast_in_dim3A_462 = vector.shape_cast %slice3A_382 : vector<1x128xf32> to vector<1x128xf32>
    %broadcast_in_dim3A_463 = vector.broadcast %broadcast_in_dim3A_462 : vector<1x128xf32> to vector<256x128xf32>
    %select_n3A_464 = arith.select %lt3A_461, %broadcast_in_dim3A_463, %select_n3A_459 : vector<256x128xi1>, vector<256x128xf32>
    %min3A_465 = arith.minimumf %min3A_460, %slice3A_381 : vector<256x128xf32>
    %lt3A_466 = arith.cmpf olt, %slice3A_383, %min3A_465 : vector<256x128xf32>
    %broadcast_in_dim3A_467 = vector.shape_cast %slice3A_384 : vector<1x128xf32> to vector<1x128xf32>
    %broadcast_in_dim3A_468 = vector.broadcast %broadcast_in_dim3A_467 : vector<1x128xf32> to vector<256x128xf32>
    %select_n3A_469 = arith.select %lt3A_466, %broadcast_in_dim3A_468, %select_n3A_464 : vector<256x128xi1>, vector<256x128xf32>
    %min3A_470 = arith.minimumf %min3A_465, %slice3A_383 : vector<256x128xf32>
    %lt3A_471 = arith.cmpf olt, %slice3A_385, %min3A_470 : vector<256x128xf32>
    %broadcast_in_dim3A_472 = vector.shape_cast %slice3A_386 : vector<1x128xf32> to vector<1x128xf32>
    %broadcast_in_dim3A_473 = vector.broadcast %broadcast_in_dim3A_472 : vector<1x128xf32> to vector<256x128xf32>
    %select_n3A_474 = arith.select %lt3A_471, %broadcast_in_dim3A_473, %select_n3A_469 : vector<256x128xi1>, vector<256x128xf32>
    %min3A_475 = arith.minimumf %min3A_470, %slice3A_385 : vector<256x128xf32>
    %lt3A_476 = arith.cmpf olt, %slice3A_387, %min3A_475 : vector<256x128xf32>
    %broadcast_in_dim3A_477 = vector.shape_cast %slice3A_388 : vector<1x128xf32> to vector<1x128xf32>
    %broadcast_in_dim3A_478 = vector.broadcast %broadcast_in_dim3A_477 : vector<1x128xf32> to vector<256x128xf32>
    %select_n3A_479 = arith.select %lt3A_476, %broadcast_in_dim3A_478, %select_n3A_474 : vector<256x128xi1>, vector<256x128xf32>
    %min3A_480 = arith.minimumf %min3A_475, %slice3A_387 : vector<256x128xf32>
    %lt3A_481 = arith.cmpf olt, %slice3A_389, %min3A_480 : vector<256x128xf32>
    %broadcast_in_dim3A_482 = vector.shape_cast %slice3A_390 : vector<1x128xf32> to vector<1x128xf32>
    %broadcast_in_dim3A_483 = vector.broadcast %broadcast_in_dim3A_482 : vector<1x128xf32> to vector<256x128xf32>
    %select_n3A_484 = arith.select %lt3A_481, %broadcast_in_dim3A_483, %select_n3A_479 : vector<256x128xi1>, vector<256x128xf32>
    %min3A_485 = arith.minimumf %min3A_480, %slice3A_389 : vector<256x128xf32>
    %lt3A_486 = arith.cmpf olt, %slice3A_391, %min3A_485 : vector<256x128xf32>
    %broadcast_in_dim3A_487 = vector.shape_cast %slice3A_392 : vector<1x128xf32> to vector<1x128xf32>
    %broadcast_in_dim3A_488 = vector.broadcast %broadcast_in_dim3A_487 : vector<1x128xf32> to vector<256x128xf32>
    %select_n3A_489 = arith.select %lt3A_486, %broadcast_in_dim3A_488, %select_n3A_484 : vector<256x128xi1>, vector<256x128xf32>
    %min3A_490 = arith.minimumf %min3A_485, %slice3A_391 : vector<256x128xf32>
    %lt3A_491 = arith.cmpf olt, %slice3A_393, %min3A_490 : vector<256x128xf32>
    %broadcast_in_dim3A_492 = vector.shape_cast %slice3A_394 : vector<1x128xf32> to vector<1x128xf32>
    %broadcast_in_dim3A_493 = vector.broadcast %broadcast_in_dim3A_492 : vector<1x128xf32> to vector<256x128xf32>
    %select_n3A_494 = arith.select %lt3A_491, %broadcast_in_dim3A_493, %select_n3A_489 : vector<256x128xi1>, vector<256x128xf32>
    %min3A_495 = arith.minimumf %min3A_490, %slice3A_393 : vector<256x128xf32>
    %lt3A_496 = arith.cmpf olt, %slice3A_395, %min3A_495 : vector<256x128xf32>
    %broadcast_in_dim3A_497 = vector.shape_cast %slice3A_396 : vector<1x128xf32> to vector<1x128xf32>
    %broadcast_in_dim3A_498 = vector.broadcast %broadcast_in_dim3A_497 : vector<1x128xf32> to vector<256x128xf32>
    %select_n3A_499 = arith.select %lt3A_496, %broadcast_in_dim3A_498, %select_n3A_494 : vector<256x128xi1>, vector<256x128xf32>
    %min3A_500 = arith.minimumf %min3A_495, %slice3A_395 : vector<256x128xf32>
    %lt3A_501 = arith.cmpf olt, %slice3A_397, %min3A_500 : vector<256x128xf32>
    %broadcast_in_dim3A_502 = vector.shape_cast %slice3A_398 : vector<1x128xf32> to vector<1x128xf32>
    %broadcast_in_dim3A_503 = vector.broadcast %broadcast_in_dim3A_502 : vector<1x128xf32> to vector<256x128xf32>
    %select_n3A_504 = arith.select %lt3A_501, %broadcast_in_dim3A_503, %select_n3A_499 : vector<256x128xi1>, vector<256x128xf32>
    %min3A_505 = arith.minimumf %min3A_500, %slice3A_397 : vector<256x128xf32>
    %reduce_min3A_506 = arith.constant dense<0x7F800000> : vector<256xf32>
    %reduce_min3A_507 = vector.multi_reduction <minimumf>, %min3A_505, %reduce_min3A_506 [1] : vector<256x128xf32> to vector<256xf32>
    %broadcast_in_dim3A_508 = vector.shape_cast %reduce_min3A_507 : vector<256xf32> to vector<256x1xf32>
    %eq3A_509 = vector.broadcast %broadcast_in_dim3A_508 : vector<256x1xf32> to vector<256x128xf32>
    %eq3A_510 = arith.cmpf oeq, %min3A_505, %eq3A_509 : vector<256x128xf32>
    %jit3A_511 = arith.constant 8.192000e+03 : f32
    %broadcast_in_dim3A_512 = vector.broadcast %jit3A_511 : f32 to vector<256x128xf32>
    %select_n3A_513 = arith.select %eq3A_510, %select_n3A_504, %broadcast_in_dim3A_512 : vector<256x128xi1>, vector<256x128xf32>
    %reduce_min3A_514 = arith.constant dense<0x7F800000> : vector<256xf32>
    %reduce_min3A_515 = vector.multi_reduction <minimumf>, %select_n3A_513, %reduce_min3A_514 [1] : vector<256x128xf32> to vector<256xf32>
    %broadcast_in_dim3A_516 = vector.shape_cast %reduce_min3A_515 : vector<256xf32> to vector<256x1xf32>
    %convert_element_type3A_517 = arith.truncf %broadcast_in_dim3A_176 : vector<256x1xf32> to vector<256x1xbf16>
    %convert_element_type3A_518 = arith.extf %convert_element_type3A_517 : vector<256x1xbf16> to vector<256x1xf32>
    %lt3A_519 = arith.cmpf olt, %broadcast_in_dim3A_343, %convert_element_type3A_518 : vector<256x1xf32>
    %select_n3A_520 = arith.select %lt3A_519, %broadcast_in_dim3A_343, %convert_element_type3A_518 : vector<256x1xi1>, vector<256x1xf32>
    %convert_element_type3A_521 = arith.truncf %select_n3A_520 : vector<256x1xf32> to vector<256x1xbf16>
    %convert_element_type3A_522 = arith.extf %convert_element_type3A_521 : vector<256x1xbf16> to vector<256x1xf32>
    %lt3A_523 = arith.cmpf olt, %broadcast_in_dim3A_508, %convert_element_type3A_522 : vector<256x1xf32>
    %select_n3A_524 = arith.select %lt3A_519, %broadcast_in_dim3A_343, %broadcast_in_dim3A_176 : vector<256x1xi1>, vector<256x1xf32>
    %select_n3A_525 = arith.select %lt3A_523, %broadcast_in_dim3A_508, %select_n3A_524 : vector<256x1xi1>, vector<256x1xf32>
    %select_n3A_526 = arith.select %lt3A_519, %broadcast_in_dim3A_351, %broadcast_in_dim3A_183 : vector<256x1xi1>, vector<256x1xf32>
    %select_n3A_527 = arith.select %lt3A_523, %broadcast_in_dim3A_516, %select_n3A_526 : vector<256x1xi1>, vector<256x1xf32>
    %convert_element_type3A_528 = arith.fptosi %select_n3A_527 : vector<256x1xf32> to vector<256x1xi32>
    %swap3A = arith.constant 0 : index
    %swap3A_529 = arith.constant 0 : index
    %swap3A_530 = vector.load %arg7[%swap3A, %swap3A_529] : memref<256x1xi32, #tpu.memory_space<vmem>>, vector<256x1xi32>
    tpu.vector_store %arg7[%swap3A, %swap3A_529], %convert_element_type3A_528 {strides = array<i32>} : memref<256x1xi32, #tpu.memory_space<vmem>>, vector<256x1xi32>,
    %eq3A_531 = vector.broadcast %convert_element_type3A : vector<1x8192xf32> to vector<256x8192xf32>
    %eq3A_532 = vector.broadcast %select_n3A_527 : vector<256x1xf32> to vector<256x8192xf32>
    %eq3A_533 = arith.cmpf oeq, %eq3A_531, %eq3A_532 : vector<256x8192xf32>
    %convert_element_type3A_534 = arith.extui %eq3A_533 : vector<256x8192xi1> to vector<256x8192xi32>
    %convert_element_type3A_535 = arith.sitofp %convert_element_type3A_534 : vector<256x8192xi32> to vector<256x8192xf32>
    %swap3A_536 = arith.constant 0 : index
    %swap3A_537 = arith.constant 0 : index
    %swap3A_538 = vector.load %arg6[%swap3A_536, %swap3A_537] : memref<256x8192xf32, #tpu.memory_space<vmem>>, vector<256x8192xf32>
    tpu.vector_store %arg6[%swap3A_536, %swap3A_537], %convert_element_type3A_535 {strides = array<i32>} : memref<256x8192xf32, #tpu.memory_space<vmem>>, vector<256x8192xf32>,
    %eq3A_539 = arith.constant 0 : i32
    %eq3A_540 = arith.cmpi eq, %arg0, %eq3A_539 : i32
    %convert_element_type3A_541 = arith.extui %eq3A_540 : i1 to i32
    %cond3A = arith.constant 0 : i32
    %cond3A_542 = arith.cmpi ne, %convert_element_type3A_541, %cond3A : i32
    scf.if %cond3A_542 {
      %broadcast_in_dim3A_571 = arith.constant 0.000000e+00 : f32
      %broadcast_in_dim3A_572 = vector.broadcast %broadcast_in_dim3A_571 : f32 to vector<1x8192xf32>
      %swap3A_573 = arith.constant 0 : index
      %swap3A_574 = arith.constant 0 : index
      %swap3A_575 = vector.load %arg8[%swap3A_573, %swap3A_574] : memref<1x8192xf32, #tpu.memory_space<vmem>>, vector<1x8192xf32>
      tpu.vector_store %arg8[%swap3A_573, %swap3A_574], %broadcast_in_dim3A_572 {strides = array<i32>} : memref<1x8192xf32, #tpu.memory_space<vmem>>, vector<1x8192xf32>,
      %broadcast_in_dim3A_576 = arith.constant 0.000000e+00 : f32
      %broadcast_in_dim3A_577 = vector.broadcast %broadcast_in_dim3A_576 : f32 to vector<1x1xf32>
      %swap3A_578 = arith.constant 0 : index
      %swap3A_579 = arith.constant 0 : index
      %swap3A_580 = vector.load %arg9[%swap3A_578, %swap3A_579] : memref<1x1xf32, #tpu.memory_space<vmem>>, vector<1x1xf32>
      tpu.vector_store %arg9[%swap3A_578, %swap3A_579], %broadcast_in_dim3A_577 {strides = array<i32>} : memref<1x1xf32, #tpu.memory_space<vmem>>, vector<1x1xf32>,
    } else {
    }
    %get3A_543 = arith.constant 0 : index
    %get3A_544 = arith.constant 0 : index
    %get3A_545 = vector.load %arg8[%get3A_543, %get3A_544] : memref<1x8192xf32, #tpu.memory_space<vmem>>, vector<1x8192xf32>
    %reduce_sum3A_546 = arith.constant dense<0.000000e+00> : vector<8192xf32>
    %reduce_sum3A_547 = vector.multi_reduction <add>, %convert_element_type3A_535, %reduce_sum3A_546 [0] : vector<256x8192xf32> to vector<8192xf32>
    %broadcast_in_dim3A_548 = vector.shape_cast %reduce_sum3A_547 : vector<8192xf32> to vector<1x8192xf32>
    %add3A_549 = arith.addf %get3A_545, %broadcast_in_dim3A_548 : vector<1x8192xf32>
    %swap3A_550 = arith.constant 0 : index
    %swap3A_551 = arith.constant 0 : index
    %swap3A_552 = vector.load %arg8[%swap3A_550, %swap3A_551] : memref<1x8192xf32, #tpu.memory_space<vmem>>, vector<1x8192xf32>
    tpu.vector_store %arg8[%swap3A_550, %swap3A_551], %add3A_549 {strides = array<i32>} : memref<1x8192xf32, #tpu.memory_space<vmem>>, vector<1x8192xf32>,
    %get3A_553 = arith.constant 0 : index
    %get3A_554 = arith.constant 0 : index
    %get3A_555 = vector.load %arg9[%get3A_553, %get3A_554] : memref<1x1xf32, #tpu.memory_space<vmem>>, vector<1x1xf32>
    %reduce_sum3A_556 = vector.shape_cast %select_n3A_525 : vector<256x1xf32> to vector<1x256x1xf32>
    %reduce_sum3A_557 = arith.constant dense<0.000000e+00> : vector<1xf32>
    %reduce_sum3A_558 = vector.multi_reduction <add>, %reduce_sum3A_556, %reduce_sum3A_557 [1, 2] : vector<1x256x1xf32> to vector<1xf32>
    %reduce_sum3A_559 = vector.shape_cast %reduce_sum3A_558 : vector<1xf32> to vector<1x1x1xf32>
    %reduce_sum3A_560 = vector.extract %reduce_sum3A_559[0, 0, 0] : f32 from vector<1x1x1xf32>
    %broadcast_in_dim3A_561 = vector.broadcast %reduce_sum3A_560 : f32 to vector<1x1xf32>
    %add3A_562 = arith.addf %get3A_555, %broadcast_in_dim3A_561 : vector<1x1xf32>
    %swap3A_563 = arith.constant 0 : index
    %swap3A_564 = arith.constant 0 : index
    %swap3A_565 = vector.load %arg9[%swap3A_563, %swap3A_564] : memref<1x1xf32, #tpu.memory_space<vmem>>, vector<1x1xf32>
    tpu.vector_store %arg9[%swap3A_563, %swap3A_564], %add3A_562 {strides = array<i32>} : memref<1x1xf32, #tpu.memory_space<vmem>>, vector<1x1xf32>,
    %eq3A_566 = arith.constant 63 : i32
    %eq3A_567 = arith.cmpi eq, %arg0, %eq3A_566 : i32
    %convert_element_type3A_568 = arith.extui %eq3A_567 : i1 to i32
    %cond3A_569 = arith.constant 0 : i32
    %cond3A_570 = arith.cmpi ne, %convert_element_type3A_568, %cond3A_569 : i32
    scf.if %cond3A_570 {
      %get3A_571 = arith.constant 0 : index
      %get3A_572 = arith.constant 0 : index
      %get3A_573 = vector.load %arg9[%get3A_571, %get3A_572] : memref<1x1xf32, #tpu.memory_space<vmem>>, vector<1x1xf32>
      %mul3A_574 = arith.constant 1.250000e+00 : f32
      %mul3A_575 = vector.broadcast %mul3A_574 : f32 to vector<1x1xf32>
      %mul3A_576 = arith.mulf %mul3A_575, %get3A_573 : vector<1x1xf32>
      %div3A = arith.constant 0x4A800000 : f32
      %div3A_577 = vector.broadcast %div3A : f32 to vector<1x1xf32>
      %div3A_578 = arith.divf %mul3A_576, %div3A_577 : vector<1x1xf32>
      %swap3A_579 = arith.constant 0 : index
      %swap3A_580 = arith.constant 0 : index
      %swap3A_581 = vector.load %arg4[%swap3A_579, %swap3A_580] : memref<1x1xf32, #tpu.memory_space<vmem>>, vector<1x1xf32>
      tpu.vector_store %arg4[%swap3A_579, %swap3A_580], %div3A_578 {strides = array<i32>} : memref<1x1xf32, #tpu.memory_space<vmem>>, vector<1x1xf32>,
      %get3A_582 = arith.constant 0 : index
      %get3A_583 = arith.constant 0 : index
      %get3A_584 = vector.load %arg8[%get3A_582, %get3A_583] : memref<1x8192xf32, #tpu.memory_space<vmem>>, vector<1x8192xf32>
      %div3A_585 = arith.constant 1.638400e+04 : f32
      %div3A_586 = vector.broadcast %div3A_585 : f32 to vector<1x8192xf32>
      %div3A_587 = arith.divf %get3A_584, %div3A_586 : vector<1x8192xf32>
      %add3A_588 = arith.constant 1.000000e-10 : f32
      %add3A_589 = vector.broadcast %add3A_588 : f32 to vector<1x8192xf32>
      %add3A_590 = arith.addf %div3A_587, %add3A_589 : vector<1x8192xf32>
      %log3A = math.log %add3A_590 : vector<1x8192xf32>
      %mul3A_591 = arith.mulf %div3A_587, %log3A : vector<1x8192xf32>
      %reduce_sum3A_592 = vector.shape_cast %mul3A_591 : vector<1x8192xf32> to vector<1x1x8192xf32>
      %reduce_sum3A_593 = arith.constant dense<0.000000e+00> : vector<1xf32>
      %reduce_sum3A_594 = vector.multi_reduction <add>, %reduce_sum3A_592, %reduce_sum3A_593 [1, 2] : vector<1x1x8192xf32> to vector<1xf32>
      %reduce_sum3A_595 = vector.shape_cast %reduce_sum3A_594 : vector<1xf32> to vector<1x1x1xf32>
      %reduce_sum3A_596 = vector.extract %reduce_sum3A_595[0, 0, 0] : f32 from vector<1x1x1xf32>
      %broadcast_in_dim3A_597 = vector.broadcast %reduce_sum3A_596 : f32 to vector<1x1xf32>
      %neg3A = arith.constant 0.000000e+00 : f32
      %neg3A_598 = vector.broadcast %neg3A : f32 to vector<1x1xf32>
      %neg3A_599 = arith.subf %neg3A_598, %broadcast_in_dim3A_597 : vector<1x1xf32>
      %exp3A = math.exp %neg3A_599 : vector<1x1xf32>
      %swap3A_600 = arith.constant 0 : index
      %swap3A_601 = arith.constant 0 : index
      %swap3A_602 = vector.load %arg5[%swap3A_600, %swap3A_601] : memref<1x1xf32, #tpu.memory_space<vmem>>, vector<1x1xf32>
      tpu.vector_store %arg5[%swap3A_600, %swap3A_601], %exp3A {strides = array<i32>} : memref<1x1xf32, #tpu.memory_space<vmem>>, vector<1x1xf32>,
    } else {
    }
    return
  }
  func.func @transform_0(%arg0: i32) -> (i32, i32) {
    %c0_i32 = arith.constant 0 : i32
    %c0_i32_0 = arith.constant 0 : i32
    return %arg0, %c0_i32 : i32, i32
  }
  func.func @transform_1(%arg0: i32) -> (i32, i32) {
    %c0_i32 = arith.constant 0 : i32
    %c0_i32_0 = arith.constant 0 : i32
    %c0_i32_1 = arith.constant 0 : i32
    return %c0_i32, %c0_i32_0 : i32, i32
  }
  func.func @transform_2(%arg0: i32) -> (i32, i32) {
    %c0_i32 = arith.constant 0 : i32
    %c0_i32_0 = arith.constant 0 : i32
    %c0_i32_1 = arith.constant 0 : i32
    return %c0_i32, %c0_i32_0 : i32, i32
  }
  func.func @transform_3(%arg0: i32) -> (i32, i32) {
    %c0_i32 = arith.constant 0 : i32
    %c0_i32_0 = arith.constant 0 : i32
    %c0_i32_1 = arith.constant 0 : i32
    return %c0_i32, %c0_i32_0 : i32, i32
  }
  func.func @transform_4(%arg0: i32) -> (i32, i32) {
    %c0_i32 = arith.constant 0 : i32
    %c0_i32_0 = arith.constant 0 : i32
    %c0_i32_1 = arith.constant 0 : i32
    return %c0_i32, %c0_i32_0 : i32, i32
  }
  func.func @transform_5(%arg0: i32) -> (i32, i32) {
    %c0_i32 = arith.constant 0 : i32
    %c0_i32_0 = arith.constant 0 : i32
    return %arg0, %c0_i32 : i32, i32
  }
  func.func @transform_6(%arg0: i32) -> (i32, i32) {
    %c0_i32 = arith.constant 0 : i32
    %c0_i32_0 = arith.constant 0 : i32
    return %arg0, %c0_i32 : i32, i32
  }
}

</mosaic_0001>

<sc_bundles>
// kernel: kernel.4.cloned.1.call-start
scs
__scs_entry_jumppad:
0x0: {  	(pc) =	sbr.rel $0x88, $3  }
0x1: {  	(tag) =	ssettag $0x0;
	lr =	simm.s32 $0x1  }
0x2: {  	[smem:$0x3F9F] =	sst lr;
	_ =	strace $0xD0000000  }
0x3: {  	_ = 	snop  }
0x4: {  	_ = 	snop  }
0x5: {  	_ = 	snop  }
0x6: {  	_ = 	snop  }
0x7: {  	_ = 	snop  }
__scs_overlays_trampoline_lowered:
0x8: {  	[smem:$0x3FAE] =	sst s0  }
0x9: {  	[smem:$0x3FAF] =	sst s1  }
0xa: {  	[smem:$0x3FB0] =	sst s2  }
0xb: {  	[smem:$0x3FB1] =	sst s3  }
0xc: {  	[smem:$0x3FB2] =	sst s4  }
0xd: {  	[smem:$0x3FB3] =	sst s5  }
0xe: {  	[smem:$0x3FB4] =	sst s6  }
0xf: {  	[smem:$0x3FB5] =	sst s7  }
0x10: {  	[smem:$0x3FB6] =	sst s8  }
0x11: {  	[smem:$0x3FB7] =	sst s9;
	s0 =	simm.s32 @!p0 $0x0  }
0x12: {  	s1 =	sld [smem:$0x3F9D];
	s0 =	simm.s32 @p0 $0x1  }
0x13: {  	[smem:$0x3FB8] =	sst s0;
	s0 =	simm.s32 @!p1 $0x0  }
0x14: {  	s2 =	sld [smem:$0x3F9C];
	s0 =	simm.s32 @p1 $0x1  }
0x15: {  	[smem:$0x3FB9] =	sst s0;
	s0 =	simm.s32 @!p2 $0x0  }
0x16: {  	s3 =	sld [smem:$0x3FDB];
	s0 =	simm.s32 @p2 $0x1  }
0x17: {  	s4 =	simm.s32 $0x1BF5;
	[smem:$0x3FBB] =	sst s0  }
0x18: {  	s0 =	sld [smem:$0x3F9E];
	_ =	swait.ge [sflag:s4], $0x0  }
0x19: {  	s7 =	sld [smem:$0x3F9F]  }
0x1a: {  	s8 =	sadd.s32 $0xFFFFE003, lr  }
0x1b: {  	s9 =	sadd.s32 $0xFFFFFEF7, lr;
	s5 =	simm.s32 $0xFFFFFFFF;
	p2 =	slt.u32 s8, $0xFFFFF086  }
0x1c: {  	p1 =	slt.u32 s9, $0xF7A;
	s5 =	simm.s32 @!p2 $0x0  }
0x1d: {  	s5 =	simm.s32 @p1 $0x1;
	p0 =	seq.s32 s7, s2  }
0x1e: {  	s7 =	smul.u32 @!p0 $0xF7A, s2;
	p2 =	seq.s32 @!p0 s5, $0x0  }
0x1f: {  	s9 =	smul.u32 $0xF7A, s1;
	s8 =	simm.s32 @!p0 $0x1BF5;
	p2 =	por !p2, p0  }
0x20: {  	[sflag:s8] =	ssyncset.s32 @!p0 $0xFFFFF086;
	s6 =	sadd.s32 @!p0 s3, s7;
	s7 =	simm.s32 @!p0 $0x108  }
0x21: {  	s3 =	sadd.s32 s3, s9;
	s6 =	sadd.s32 @!p0 $0x88, s6;
	s7 =	simm.s32 @p2 $0x1082  }
0x22: {  	[simem:s7], [sflag:s8] =	dma.local @!p0 [hbm:s6], $0xF7A  }
0x23: {  	s9 =	sor.u32 $0xD0000000, s2;
	s6 =	simm.s32 $0x108;
	_ =	swait.ge @!p0 [sflag:s8], $0x0  }
0x24: {  	s3 =	sadd.s32 $0x88, s3;
	s6 =	simm.s32 @!p1 $0x1082;
	[sflag:s4] =	ssyncset.s32 $0xFFFFF086  }
0x25: {  	[simem:s6], [sflag:s4] =	dma.local [hbm:s3], $0xF7A  }
0x26: {  	[smem:$0x3F9F] =	sst s1;
	(tag) =	ssettag s2;
	_ =	strace s9  }
0x27: {  	s1 =	sld [smem:$0x3FAF]  }
0x28: {  	s2 =	sld [smem:$0x3FB0]  }
0x29: {  	s4 =	sld [smem:$0x3FB2]  }
0x2a: {  	p0 =	seq.s32 s5, $0x0;
	s5 =	sld [smem:$0x3FB3]  }
0x2b: {  	s6 =	sld [smem:$0x3FB4]  }
0x2c: {  	s7 =	sld [smem:$0x3FB5]  }
0x2d: {  	s3 =	simm.s32 $0x108;
	s8 =	sld [smem:$0x3FB6]  }
0x2e: {  	s3 =	simm.s32 @!p0 $0x1082;
	s9 =	sld [smem:$0x3FB7]  }
0x2f: {  	lr =	sadd.s32 s0, s3;
	s0 =	sld [smem:$0x3FAE]  }
0x30: {  	s3 =	sld [smem:$0x3FB1]  }
0x31: {  	[smem:$0x3FBA] =	sst s10  }
0x32: {  	s10 =	sld [smem:$0x3FB8];
	_ =	sdelay $0x3  }
0x33: {  	p0 =	seq.s32 s10, $0x1;
	s10 =	sld [smem:$0x3FBA];
	_ =	sdelay $0x3  }
0x34: {  	[smem:$0x3FBA] =	sst s10  }
0x35: {  	s10 =	sld [smem:$0x3FB9];
	_ =	sdelay $0x3  }
0x36: {  	p1 =	seq.s32 s10, $0x1;
	s10 =	sld [smem:$0x3FBA];
	_ =	sdelay $0x3  }
0x37: {  	[smem:$0x3FBA] =	sst s10  }
0x38: {  	s10 =	sld [smem:$0x3FBB]  }
0x39: {  	_ = 	snop;
	(pc) =	sbr.ind lr, $3  }
0x3a: {  	_ = 	snop  }
0x3b: {  	_ = 	snop  }
0x3c: {  	p2 =	seq.s32 s10, $0x1;
	s10 =	sld [smem:$0x3FBA]  }
0x3d: {  	_ =	shalt  }
0x3e: {  	_ =	shalt  }
0x3f: {  	_ =	shalt  }
0x40: {  	_ =	shalt  }
0x41: {  	_ =	shalt  }
0x42: {  	_ =	shalt  }
0x43: {  	_ =	shalt  }
0x44: {  	_ =	shalt  }
0x45: {  	_ =	shalt  }
0x46: {  	_ =	shalt  }
0x47: {  	_ =	shalt  }
0x48: {  	_ =	shalt  }
0x49: {  	_ =	shalt  }
0x4a: {  	_ =	shalt  }
0x4b: {  	_ =	shalt  }
0x4c: {  	_ =	shalt  }
0x4d: {  	_ =	shalt  }
0x4e: {  	_ =	shalt  }
0x4f: {  	_ =	shalt  }
0x50: {  	_ =	shalt  }
0x51: {  	_ =	shalt  }
0x52: {  	_ =	shalt  }
0x53: {  	_ =	shalt  }
0x54: {  	_ =	shalt  }
0x55: {  	_ =	shalt  }
0x56: {  	_ =	shalt  }
0x57: {  	_ =	shalt  }
0x58: {  	_ =	shalt  }
0x59: {  	_ =	shalt  }
0x5a: {  	_ =	shalt  }
0x5b: {  	_ =	shalt  }
0x5c: {  	_ =	shalt  }
0x5d: {  	_ =	shalt  }
0x5e: {  	_ =	shalt  }
0x5f: {  	_ =	shalt  }
0x60: {  	_ =	shalt  }
0x61: {  	_ =	shalt  }
0x62: {  	_ =	shalt  }
0x63: {  	_ =	shalt  }
0x64: {  	_ =	shalt  }
0x65: {  	_ =	shalt  }
0x66: {  	_ =	shalt  }
0x67: {  	_ =	shalt  }
0x68: {  	_ =	shalt  }
0x69: {  	_ =	shalt  }
0x6a: {  	_ =	shalt  }
0x6b: {  	_ =	shalt  }
0x6c: {  	_ =	shalt  }
0x6d: {  	_ =	shalt  }
0x6e: {  	_ =	shalt  }
0x6f: {  	_ =	shalt  }
0x70: {  	_ =	shalt  }
0x71: {  	_ =	shalt  }
0x72: {  	_ =	shalt  }
0x73: {  	_ =	shalt  }
0x74: {  	_ =	shalt  }
0x75: {  	_ =	shalt  }
0x76: {  	_ =	shalt  }
0x77: {  	_ =	shalt  }
0x78: {  	_ =	shalt  }
0x79: {  	_ =	shalt  }
0x7a: {  	_ =	shalt  }
0x7b: {  	_ =	shalt  }
0x7c: {  	_ =	shalt  }
0x7d: {  	_ =	shalt  }
0x7e: {  	_ =	shalt  }
0x7f: {  	_ =	shalt  }
0x80: {  	_ =	shalt  }
0x81: {  	_ =	shalt  }
0x82: {  	_ =	shalt  }
0x83: {  	_ =	shalt  }
0x84: {  	_ =	shalt  }
0x85: {  	_ =	shalt  }
0x86: {  	_ =	shalt  }
0x87: {  	_ =	shalt  }
.Lfunc_end0:
.L_simem_size_0:
called_computation_lowered:
.L_overlay_start_0:
0x88: {  	s2 =	sld [smem:$0x3FD9]  }
0x89: {  	s3 =	sld [smem:$0x3FFE];
	_ =	sdelay $0x1  }
0x8a: {  	s1 =	srdreg.scid  }
0x8b: {  	s0 =	sand.u32 $0x1, s1  }
0x8c: {  	s14 =	sshll.u32 s0, $0xA;
	s2 =	sadd.s32 s3, s2  }
0x8d: {  	s2 =	sadd.s32 s2, s14  }
0x8e: {  	[smem:$0x3FC6] =	sst s2  }
0x8f: {  	_ = 	snop  }
0x90: {  	s2 =	sld [smem:$0x3FD0];
	_ =	sdelay $0x2  }
0x91: {  	s4 =	simm.s32 $0xA;
	s5 =	simm.s32 $0x10;
	s15 =	sld [smem:$0x3FC8]  }
0x92: {  	[smem:s5], [sflag:s4] =	dma.local [hbm:s2], $0x1  }
0x93: {  	_ =	swait.eq [sflag:s4], $0x1  }
0x94: {  	[sflag:s4] =	ssyncset.done $0x0  }
0x95: {  	[sflag:s4] =	ssyncadd.s32 $0xFFFFFFFF  }
0x96: {  	s16 =	sld [smem:$0x11];
	(tm) =	ssettm $0x1  }
0x97: {  	s17 =	sld [smem:$0x3FFB];
	_ =	sdelay $0x3  }
0x98: {  	_ =	strace s17  }
0x99: {  	s4 =	sld [smem:$0x3FFC];
	_ =	sdelay $0x3  }
0x9a: {  	_ =	strace s4  }
0x9b: {  	s4 =	sld [smem:$0x3FFD];
	_ =	sdelay $0x3  }
0x9c: {  	_ =	strace s4  }
0x9d: {  	_ =	strace $0x8FFFFFFF  }
0x9e: {  	s18 =	sld [smem:$0x3FDB];
	_ =	sdelay $0x1  }
0x9f: {  	s19 =	simm.s32 $_scs_section_size  }
0xa0: {  	s6 =	simm.s32 $_size__tile_overlayer_lowered;
	s7 =	simm.s32 $_tile_overlayer_lowered  }
0xa1: {  	s22 =	simm.s32 $0x1BFF;
	s21 =	sshll.u32 s7, $0x1;
	s4 =	sadd.s32 s19, s18  }
0xa2: {  	s8 =	simm.s32 $0x0;
	s20 =	sshll.u32 s6, $0x1;
	s6 =	sadd.s32 s21, s4  }
0xa3: {  	[timem:s8], [sflag:s22] =	dma.local [hbm:s6], s20  }
0xa4: {  	_ =	swait.ge [sflag:s22], s20  }
0xa5: {  	s5 =	ssub.s32 $0x0, s20;
	[sflag:s22] =	ssyncset.done $0x0  }
0xa6: {  	[sflag:s22] =	ssyncadd.s32 s5;
	_ =	sdelay $0x1  }
0xa7: {  	s23 =	simm.s32 $0x1B8B  }
0xa8: {  	_ =	swait.ge [sflag:s23], $0x1  }
0xa9: {  	[sflag:s23] =	ssyncset.done $0x0  }
0xaa: {  	s25 =	simm.s32 $0x1B8E;
	s24 =	sld [smem:$0x3FFE];
	[sflag:s23] =	ssyncadd.s32 $0xFFFFFFFF  }
0xab: {  	s26 =	simm.s32 $execute0_lowered;
	[smem:$0x3FD2] =	sst s25  }
0xac: {  	s6 =	sshll.u32 s26, $0x1;
	_ =	strace $0x80000046;
	[dreg:$0x1] =	wrdreg $0xFFFFFFFF  }
0xad: {  	s28 =	simm.s32 $_size_execute0_lowered;
	s4 =	sadd.s32 s4, s6;
	[dreg:$0x0] =	wrdreg $0x0  }
0xae: {  	s6 =	sshll.u32 s28, $0x1;
	[dreg:$0x2] =	wrdreg s4  }
0xaf: {  	[dreg:$0x3] =	wrdreg s6  }
0xb0: {  	[dreg:$0x4] =	wrdreg $0xC0  }
0xb1: {  	_ =	task [dreg:s8], $0x5FFFF  }
0xb2: {  	[dreg:$0x1] =	wrdreg $0xFFFFFFFF  }
0xb3: {  	[dreg:$0x0] =	wrdreg $0x60  }
0xb4: {  	[dreg:$0x2] =	wrdreg s15  }
0xb5: {  	[dreg:$0x3] =	wrdreg s24  }
0xb6: {  	[dreg:$0x4] =	wrdreg s16  }
0xb7: {  	[dreg:$0x5] =	wrdreg $0x9  }
0xb8: {  	_ =	task.clear_ibuf [dreg:s8], $0x6FFFF;
	_ =	strace $0x90000046  }
0xb9: {  	s29 =	simm.s32 $0x9;
	_ =	strace $0x80000048  }
0xba: {  	_ =	swait.ge [sflag:s29], $0x1  }
0xbb: {  	[sflag:s29] =	ssyncadd.s32 $0xFFFFFFFF  }
0xbc: {  	_ =	strace $0x90000048  }
0xbd: {  	_ =	sfence  }
0xbe: {  	s30 =	sld [smem:$0x0];
	_ =	sdelay $0x2  }
0xbf: {  	s31 =	sshll.u32 s1, $0xD;
	s1 =	sshrl.u32 s1, $0x2  }
0xc0: {  	s3 =	sand.u32 $0x4000, s31;
	s1 =	sadd.s32 s1, s30  }
0xc1: {  	s0 =	sor.u32 s3, s0;
	s1 =	sshll.u32 s1, $0x11  }
0xc2: {  	s0 =	sor.u32 s1, s0  }
0xc3: {  	s0 =	sadd.s32 $0x8F2B, s0  }
0xc4: {  	[sflag:s0] =	ssyncadd.remote.s32 $0x1  }
0xc5: {  	_ =	sfence.sel $0xFFFF  }
0xc6: {  	[dreg:$0x0] =	wrdreg $0xFFFFFFFF;
	(pc) =	sbr.abs _section_cstart, $3  }
0xc7: {  	[dreg:$0x1] =	wrdreg $0xFFFFFFFF  }
0xc8: {  	_ =	task.clear_ibuf [dreg:s8], $0x2FFFF;
	_ =	strace $0x9FFFFFFF  }
0xc9: {  	(tm) =	ssettm $0x7FFFFFFF  }
tec
execute0_lowered:
.L_overlay_start_1:
0x0: {  	(tag) =	ssettag $0x1  }
0x1: {  	s1 =	rddreg [dreg:$0x0]  }
0x2: {  	s0 =	rddreg [dreg:$0x1]  }
0x3: {  	s2 =	rddreg [dreg:$0x2];
	s3 =	srdreg.scid  }
0x4: {  	s5 =	stileid.u32;
	s12 =	simm.s32 $0x1;
	s14 =	simm.s32 $0x900  }
0x5: {  	s15 =	simm.s32 $0x1100;
	s16 =	simm.s32 $0x1900;
	s17 =	simm.s32 $0x2100  }
0x6: {  	s18 =	simm.s32 $0x2900;
	s19 =	simm.s32 $0x3100;
	s20 =	simm.s32 $0x3900  }
0x7: {  	s21 =	simm.s32 $0x4100;
	s22 =	simm.s32 $0x4900;
	s28 =	simm.s32 $0x7100  }
0x8: {  	s29 =	simm.s32 $0x7900;
	s30 =	simm.s32 $0x8100;
	s31 =	simm.s32 $0x8900  }
0x9: {  	s9 =	simm.s32 $0xB100;
	s10 =	simm.s32 $0xB900;
	s11 =	simm.s32 $0xC100  }
0xa: {  	s4 =	sand.u32 $0x1, s3;
	s3 =	simm.s32 $0x0;
	s5 =	sshll.u32 s5, $0xA  }
0xb: {  	s6 =	sshll.u32 s4, $0x9;
	[smem:$0x7FF] =	sst s3;
	s4 =	ssub.s32 $0x2, s4  }
0xc: {  	s5 =	sor.u32 s6, s5;
	_ =	strace $0x80000047;
	s23 =	sshrl.u32 s4, $0x1  }
0xd: {  	s6 =	simm.s32 $0xC900;
	s7 =	sshrl.u32 s5, $0x3;
	s8 =	sshll.u32 s5, $0x5  }
0xe: {  	s5 =	sor.u32 $0x100, s5;
	s4 =	ssub.s32 s4, s23;
	s23 =	simm.s32 $0x5100  }
0xf: {  	s7 =	sadd.s32 s0, s7;
	s24 =	sadd.s32 s2, s8;
	s25 =	sshrl.u32 s5, $0x3  }
0x10: {  	s5 =	sshll.u32 s5, $0x5;
	s4 =	smax.u32 s4, $0x1;
	[dreg:$0x4] =	wrdreg s7  }
0x11: {  	s8 =	simm.s32 $0xA900;
	[dreg:$0x5] =	wrdreg s24;
	s0 =	sadd.s32 s0, s25  }
0x12: {  	v2 =	vlaneseq.u32;
	s26 =	sadd.s32 s2, s5;
	s5 =	simm.s32 $0x2;
	s24 =	simm.s32 $0x5900  }
0x13: {  	vm0 =	vmmov $0xffff;
	v1 =	vshrl.u32 v2, $0x3;
	s25 =	simm.s32 $0x6100;
	s2 =	simm.s32 $0x9900;
	[dreg:$0x6] =	wrdreg s0  }
0x14: {  	v0 =	vand.u32 $0x7, v2;
	v2 =	vor.u32 $0x8, v2;
	v1 =	vmul.u32 $0x8, v1;
	s7 =	simm.s32 $0xA100;
	[dreg:$0x7] =	wrdreg s26;
	s26 =	simm.s32 $0x6900  }
.LBB2_1:
0x15: {  	s13 =	rddreg [dreg:$0x4]  }
0x16: {  	[tilespmem:s3], [sflag:$0x2] =	stream.linear.gather [hbm4b:s13+s3], $0x100, $0x38;
	[tilespmem:$0x10100] =	vst v63  }
0x17: {  	_ =	swait.ge [sflag:s5], $0x100  }
0x18: {  	[sflag:s5] =	ssyncset.done $0x0  }
0x19: {  	[sflag:s5] =	ssyncadd.s32 $0xFFFFFF00  }
0x1a: {  	v3 =	vld [tilespmem:$0x0];
	_ =	sdelay $0x4  }
0x1b: {  	v4 =	vshll.u32 v3, $0x1  }
0x1c: {  	v3 =	vand.u32 $0x7, v3;
	v4 =	vand.u32 $0xFFFFFFF0, v4  }
0x1d: {  	v3 =	vor.u32 v3, v4  }
0x1e: {  	v4 =	vperm.xlane v3, v0;
	_ =	sdelay $0x1  }
0x1f: {  	v3 =	vperm.xlane v3, v2;
	v4 =	vadd.s32 v1, v4;
	_ =	sdelay $0x1  }
0x20: {  	v3 =	vadd.s32 v1, v3;
	_ =	sdelay $0x1  }
0x21: {  	s0 =	simm.s32 $0x100  }
0x22: {  	[tilespmem:s0], [sflag:$0x1] =	stream.indirect_vreg.gather [hbm4b:s1+s3], $0x80, v4, vm0, $0xb8;
	[tilespmem:$0x10100] =	vst v63  }
0x23: {  	_ = 	snop  }
0x24: {  	[tilespmem:s14], [sflag:$0x1] =	stream.indirect_vreg.gather [hbm4b:s1+s3], $0x80, v3, vm0, $0xb8;
	[tilespmem:$0x10100] =	vst v63  }
0x25: {  	v3 =	vld [tilespmem:$0x10];
	_ =	sdelay $0x4  }
0x26: {  	v33 =	vshll.u32 v3, $0x1  }
0x27: {  	v3 =	vand.u32 $0x7, v3;
	v4 =	vand.u32 $0xFFFFFFF0, v33  }
0x28: {  	v3 =	vor.u32 v3, v4  }
0x29: {  	v4 =	vperm.xlane v3, v0;
	_ =	sdelay $0x1  }
0x2a: {  	v3 =	vperm.xlane v3, v2;
	v4 =	vadd.s32 v1, v4;
	_ =	sdelay $0x1  }
0x2b: {  	v3 =	vadd.s32 v1, v3;
	_ =	sdelay $0x2  }
0x2c: {  	[tilespmem:s15], [sflag:$0x1] =	stream.indirect_vreg.gather [hbm4b:s1+s3], $0x80, v4, vm0, $0xb8;
	[tilespmem:$0x10100] =	vst v63  }
0x2d: {  	_ = 	snop  }
0x2e: {  	[tilespmem:s16], [sflag:$0x1] =	stream.indirect_vreg.gather [hbm4b:s1+s3], $0x80, v3, vm0, $0xb8;
	[tilespmem:$0x10100] =	vst v63  }
0x2f: {  	v3 =	vld [tilespmem:$0x20];
	_ =	sdelay $0x4  }
0x30: {  	v34 =	vshll.u32 v3, $0x1  }
0x31: {  	v3 =	vand.u32 $0x7, v3;
	v4 =	vand.u32 $0xFFFFFFF0, v34  }
0x32: {  	v3 =	vor.u32 v3, v4  }
0x33: {  	v4 =	vperm.xlane v3, v0;
	_ =	sdelay $0x1  }
0x34: {  	v3 =	vperm.xlane v3, v2;
	v4 =	vadd.s32 v1, v4;
	_ =	sdelay $0x1  }
0x35: {  	v3 =	vadd.s32 v1, v3;
	_ =	sdelay $0x2  }
0x36: {  	[tilespmem:s17], [sflag:$0x1] =	stream.indirect_vreg.gather [hbm4b:s1+s3], $0x80, v4, vm0, $0xb8;
	[tilespmem:$0x10100] =	vst v63  }
0x37: {  	_ = 	snop  }
0x38: {  	[tilespmem:s18], [sflag:$0x1] =	stream.indirect_vreg.gather [hbm4b:s1+s3], $0x80, v3, vm0, $0xb8;
	[tilespmem:$0x10100] =	vst v63  }
0x39: {  	v3 =	vld [tilespmem:$0x30];
	_ =	sdelay $0x4  }
0x3a: {  	v35 =	vshll.u32 v3, $0x1  }
0x3b: {  	v3 =	vand.u32 $0x7, v3;
	v4 =	vand.u32 $0xFFFFFFF0, v35  }
0x3c: {  	v3 =	vor.u32 v3, v4  }
0x3d: {  	v4 =	vperm.xlane v3, v0;
	_ =	sdelay $0x1  }
0x3e: {  	v3 =	vperm.xlane v3, v2;
	v4 =	vadd.s32 v1, v4;
	_ =	sdelay $0x1  }
0x3f: {  	v3 =	vadd.s32 v1, v3;
	_ =	sdelay $0x2  }
0x40: {  	[tilespmem:s19], [sflag:$0x1] =	stream.indirect_vreg.gather [hbm4b:s1+s3], $0x80, v4, vm0, $0xb8;
	[tilespmem:$0x10100] =	vst v63  }
0x41: {  	_ = 	snop  }
0x42: {  	[tilespmem:s20], [sflag:$0x1] =	stream.indirect_vreg.gather [hbm4b:s1+s3], $0x80, v3, vm0, $0xb8;
	[tilespmem:$0x10100] =	vst v63  }
0x43: {  	v3 =	vld [tilespmem:$0x40];
	_ =	sdelay $0x4  }
0x44: {  	v36 =	vshll.u32 v3, $0x1  }
0x45: {  	v3 =	vand.u32 $0x7, v3;
	v4 =	vand.u32 $0xFFFFFFF0, v36  }
0x46: {  	v3 =	vor.u32 v3, v4  }
0x47: {  	v4 =	vperm.xlane v3, v0;
	_ =	sdelay $0x1  }
0x48: {  	v3 =	vperm.xlane v3, v2;
	v4 =	vadd.s32 v1, v4;
	_ =	sdelay $0x1  }
0x49: {  	v3 =	vadd.s32 v1, v3;
	_ =	sdelay $0x2  }
0x4a: {  	[tilespmem:s21], [sflag:$0x1] =	stream.indirect_vreg.gather [hbm4b:s1+s3], $0x80, v4, vm0, $0xb8;
	[tilespmem:$0x10100] =	vst v63  }
0x4b: {  	_ = 	snop  }
0x4c: {  	[tilespmem:s22], [sflag:$0x1] =	stream.indirect_vreg.gather [hbm4b:s1+s3], $0x80, v3, vm0, $0xb8;
	[tilespmem:$0x10100] =	vst v63  }
0x4d: {  	v3 =	vld [tilespmem:$0x50];
	_ =	sdelay $0x4  }
0x4e: {  	v37 =	vshll.u32 v3, $0x1  }
0x4f: {  	v3 =	vand.u32 $0x7, v3;
	v4 =	vand.u32 $0xFFFFFFF0, v37  }
0x50: {  	v3 =	vor.u32 v3, v4  }
0x51: {  	v4 =	vperm.xlane v3, v0;
	_ =	sdelay $0x1  }
0x52: {  	v3 =	vperm.xlane v3, v2;
	v4 =	vadd.s32 v1, v4;
	_ =	sdelay $0x1  }
0x53: {  	v3 =	vadd.s32 v1, v3;
	_ =	sdelay $0x2  }
0x54: {  	[tilespmem:s23], [sflag:$0x1] =	stream.indirect_vreg.gather [hbm4b:s1+s3], $0x80, v4, vm0, $0xb8;
	[tilespmem:$0x10100] =	vst v63  }
0x55: {  	_ = 	snop  }
0x56: {  	[tilespmem:s24], [sflag:$0x1] =	stream.indirect_vreg.gather [hbm4b:s1+s3], $0x80, v3, vm0, $0xb8;
	[tilespmem:$0x10100] =	vst v63  }
0x57: {  	v3 =	vld [tilespmem:$0x60];
	_ =	sdelay $0x4  }
0x58: {  	v38 =	vshll.u32 v3, $0x1  }
0x59: {  	v3 =	vand.u32 $0x7, v3;
	v4 =	vand.u32 $0xFFFFFFF0, v38  }
0x5a: {  	v3 =	vor.u32 v3, v4  }
0x5b: {  	v4 =	vperm.xlane v3, v0;
	_ =	sdelay $0x1  }
0x5c: {  	v3 =	vperm.xlane v3, v2;
	v4 =	vadd.s32 v1, v4;
	_ =	sdelay $0x1  }
0x5d: {  	v3 =	vadd.s32 v1, v3;
	_ =	sdelay $0x2  }
0x5e: {  	[tilespmem:s25], [sflag:$0x1] =	stream.indirect_vreg.gather [hbm4b:s1+s3], $0x80, v4, vm0, $0xb8;
	[tilespmem:$0x10100] =	vst v63  }
0x5f: {  	_ = 	snop  }
0x60: {  	[tilespmem:s26], [sflag:$0x1] =	stream.indirect_vreg.gather [hbm4b:s1+s3], $0x80, v3, vm0, $0xb8;
	[tilespmem:$0x10100] =	vst v63  }
0x61: {  	v3 =	vld [tilespmem:$0x70];
	_ =	sdelay $0x4  }
0x62: {  	v39 =	vshll.u32 v3, $0x1  }
0x63: {  	v3 =	vand.u32 $0x7, v3;
	v4 =	vand.u32 $0xFFFFFFF0, v39  }
0x64: {  	v3 =	vor.u32 v3, v4  }
0x65: {  	v4 =	vperm.xlane v3, v0;
	_ =	sdelay $0x1  }
0x66: {  	v3 =	vperm.xlane v3, v2;
	v4 =	vadd.s32 v1, v4;
	_ =	sdelay $0x1  }
0x67: {  	v3 =	vadd.s32 v1, v3;
	_ =	sdelay $0x2  }
0x68: {  	[tilespmem:s28], [sflag:$0x1] =	stream.indirect_vreg.gather [hbm4b:s1+s3], $0x80, v4, vm0, $0xb8;
	[tilespmem:$0x10100] =	vst v63  }
0x69: {  	_ = 	snop  }
0x6a: {  	[tilespmem:s29], [sflag:$0x1] =	stream.indirect_vreg.gather [hbm4b:s1+s3], $0x80, v3, vm0, $0xb8;
	[tilespmem:$0x10100] =	vst v63  }
0x6b: {  	v3 =	vld [tilespmem:$0x80];
	_ =	sdelay $0x4  }
0x6c: {  	v40 =	vshll.u32 v3, $0x1  }
0x6d: {  	v3 =	vand.u32 $0x7, v3;
	v4 =	vand.u32 $0xFFFFFFF0, v40  }
0x6e: {  	v3 =	vor.u32 v3, v4  }
0x6f: {  	v4 =	vperm.xlane v3, v0;
	_ =	sdelay $0x1  }
0x70: {  	v3 =	vperm.xlane v3, v2;
	v4 =	vadd.s32 v1, v4;
	_ =	sdelay $0x1  }
0x71: {  	v3 =	vadd.s32 v1, v3;
	_ =	sdelay $0x2  }
0x72: {  	[tilespmem:s30], [sflag:$0x1] =	stream.indirect_vreg.gather [hbm4b:s1+s3], $0x80, v4, vm0, $0xb8;
	[tilespmem:$0x10100] =	vst v63  }
0x73: {  	_ = 	snop  }
0x74: {  	[tilespmem:s31], [sflag:$0x1] =	stream.indirect_vreg.gather [hbm4b:s1+s3], $0x80, v3, vm0, $0xb8;
	[tilespmem:$0x10100] =	vst v63  }
0x75: {  	v3 =	vld [tilespmem:$0x90];
	_ =	sdelay $0x4  }
0x76: {  	v41 =	vshll.u32 v3, $0x1  }
0x77: {  	v3 =	vand.u32 $0x7, v3;
	v4 =	vand.u32 $0xFFFFFFF0, v41  }
0x78: {  	v3 =	vor.u32 v3, v4  }
0x79: {  	v4 =	vperm.xlane v3, v0;
	_ =	sdelay $0x1  }
0x7a: {  	v3 =	vperm.xlane v3, v2;
	v4 =	vadd.s32 v1, v4;
	_ =	sdelay $0x1  }
0x7b: {  	v3 =	vadd.s32 v1, v3;
	_ =	sdelay $0x1  }
0x7c: {  	s13 =	simm.s32 $0x9100  }
0x7d: {  	[tilespmem:s13], [sflag:$0x1] =	stream.indirect_vreg.gather [hbm4b:s1+s3], $0x80, v4, vm0, $0xb8;
	[tilespmem:$0x10100] =	vst v63  }
0x7e: {  	_ = 	snop  }
0x7f: {  	[tilespmem:s2], [sflag:$0x1] =	stream.indirect_vreg.gather [hbm4b:s1+s3], $0x80, v3, vm0, $0xb8;
	[tilespmem:$0x10100] =	vst v63  }
0x80: {  	v3 =	vld [tilespmem:$0xA0];
	_ =	sdelay $0x4  }
0x81: {  	v42 =	vshll.u32 v3, $0x1  }
0x82: {  	v3 =	vand.u32 $0x7, v3;
	v4 =	vand.u32 $0xFFFFFFF0, v42  }
0x83: {  	v3 =	vor.u32 v3, v4  }
0x84: {  	v4 =	vperm.xlane v3, v0;
	_ =	sdelay $0x1  }
0x85: {  	v3 =	vperm.xlane v3, v2;
	v4 =	vadd.s32 v1, v4;
	_ =	sdelay $0x1  }
0x86: {  	v3 =	vadd.s32 v1, v3;
	_ =	sdelay $0x2  }
0x87: {  	[tilespmem:s7], [sflag:$0x1] =	stream.indirect_vreg.gather [hbm4b:s1+s3], $0x80, v4, vm0, $0xb8;
	[tilespmem:$0x10100] =	vst v63  }
0x88: {  	_ = 	snop  }
0x89: {  	[tilespmem:s8], [sflag:$0x1] =	stream.indirect_vreg.gather [hbm4b:s1+s3], $0x80, v3, vm0, $0xb8;
	[tilespmem:$0x10100] =	vst v63  }
0x8a: {  	v3 =	vld [tilespmem:$0xB0];
	_ =	sdelay $0x4  }
0x8b: {  	v43 =	vshll.u32 v3, $0x1  }
0x8c: {  	v3 =	vand.u32 $0x7, v3;
	v4 =	vand.u32 $0xFFFFFFF0, v43  }
0x8d: {  	v3 =	vor.u32 v3, v4  }
0x8e: {  	v4 =	vperm.xlane v3, v0;
	_ =	sdelay $0x1  }
0x8f: {  	v3 =	vperm.xlane v3, v2;
	v4 =	vadd.s32 v1, v4;
	_ =	sdelay $0x1  }
0x90: {  	v3 =	vadd.s32 v1, v3;
	_ =	sdelay $0x2  }
0x91: {  	[tilespmem:s9], [sflag:$0x1] =	stream.indirect_vreg.gather [hbm4b:s1+s3], $0x80, v4, vm0, $0xb8;
	[tilespmem:$0x10100] =	vst v63  }
0x92: {  	_ = 	snop  }
0x93: {  	[tilespmem:s10], [sflag:$0x1] =	stream.indirect_vreg.gather [hbm4b:s1+s3], $0x80, v3, vm0, $0xb8;
	[tilespmem:$0x10100] =	vst v63  }
0x94: {  	v3 =	vld [tilespmem:$0xC0];
	_ =	sdelay $0x4  }
0x95: {  	v44 =	vshll.u32 v3, $0x1  }
0x96: {  	v3 =	vand.u32 $0x7, v3;
	v4 =	vand.u32 $0xFFFFFFF0, v44  }
0x97: {  	v3 =	vor.u32 v3, v4  }
0x98: {  	v4 =	vperm.xlane v3, v0;
	_ =	sdelay $0x1  }
0x99: {  	v3 =	vperm.xlane v3, v2;
	v4 =	vadd.s32 v1, v4;
	_ =	sdelay $0x1  }
0x9a: {  	v3 =	vadd.s32 v1, v3;
	_ =	sdelay $0x2  }
0x9b: {  	[tilespmem:s11], [sflag:$0x1] =	stream.indirect_vreg.gather [hbm4b:s1+s3], $0x80, v4, vm0, $0xb8;
	[tilespmem:$0x10100] =	vst v63  }
0x9c: {  	_ = 	snop  }
0x9d: {  	[tilespmem:s6], [sflag:$0x1] =	stream.indirect_vreg.gather [hbm4b:s1+s3], $0x80, v3, vm0, $0xb8;
	[tilespmem:$0x10100] =	vst v63  }
0x9e: {  	v3 =	vld [tilespmem:$0xD0];
	_ =	sdelay $0x4  }
0x9f: {  	v45 =	vshll.u32 v3, $0x1  }
0xa0: {  	v3 =	vand.u32 $0x7, v3;
	v4 =	vand.u32 $0xFFFFFFF0, v45  }
0xa1: {  	v3 =	vor.u32 v3, v4  }
0xa2: {  	v4 =	vperm.xlane v3, v0;
	_ =	sdelay $0x1  }
0xa3: {  	v3 =	vperm.xlane v3, v2;
	v4 =	vadd.s32 v1, v4;
	_ =	sdelay $0x1  }
0xa4: {  	v3 =	vadd.s32 v1, v3;
	_ =	sdelay $0x1  }
0xa5: {  	s13 =	simm.s32 $0xD100  }
0xa6: {  	[tilespmem:s13], [sflag:$0x1] =	stream.indirect_vreg.gather [hbm4b:s1+s3], $0x80, v4, vm0, $0xb8;
	[tilespmem:$0x10100] =	vst v63  }
0xa7: {  	s13 =	simm.s32 $0xD900  }
0xa8: {  	[tilespmem:s13], [sflag:$0x1] =	stream.indirect_vreg.gather [hbm4b:s1+s3], $0x80, v3, vm0, $0xb8;
	[tilespmem:$0x10100] =	vst v63  }
0xa9: {  	v3 =	vld [tilespmem:$0xE0];
	_ =	sdelay $0x4  }
0xaa: {  	v46 =	vshll.u32 v3, $0x1  }
0xab: {  	v3 =	vand.u32 $0x7, v3;
	v4 =	vand.u32 $0xFFFFFFF0, v46  }
0xac: {  	v3 =	vor.u32 v3, v4  }
0xad: {  	v4 =	vperm.xlane v3, v0;
	_ =	sdelay $0x1  }
0xae: {  	v3 =	vperm.xlane v3, v2;
	v4 =	vadd.s32 v1, v4;
	_ =	sdelay $0x1  }
0xaf: {  	v3 =	vadd.s32 v1, v3;
	_ =	sdelay $0x1  }
0xb0: {  	s13 =	simm.s32 $0xE100  }
0xb1: {  	[tilespmem:s13], [sflag:$0x1] =	stream.indirect_vreg.gather [hbm4b:s1+s3], $0x80, v4, vm0, $0xb8;
	[tilespmem:$0x10100] =	vst v63  }
0xb2: {  	s13 =	simm.s32 $0xE900  }
0xb3: {  	[tilespmem:s13], [sflag:$0x1] =	stream.indirect_vreg.gather [hbm4b:s1+s3], $0x80, v3, vm0, $0xb8;
	[tilespmem:$0x10100] =	vst v63  }
0xb4: {  	v3 =	vld [tilespmem:$0xF0];
	_ =	sdelay $0x4  }
0xb5: {  	v47 =	vshll.u32 v3, $0x1  }
0xb6: {  	v3 =	vand.u32 $0x7, v3;
	v4 =	vand.u32 $0xFFFFFFF0, v47  }
0xb7: {  	v3 =	vor.u32 v3, v4  }
0xb8: {  	v4 =	vperm.xlane v3, v0;
	_ =	sdelay $0x1  }
0xb9: {  	v3 =	vperm.xlane v3, v2;
	v4 =	vadd.s32 v1, v4;
	_ =	sdelay $0x1  }
0xba: {  	v3 =	vadd.s32 v1, v3;
	_ =	sdelay $0x1  }
0xbb: {  	s13 =	simm.s32 $0xF100  }
0xbc: {  	[tilespmem:s13], [sflag:$0x1] =	stream.indirect_vreg.gather [hbm4b:s1+s3], $0x80, v4, vm0, $0xb8;
	[tilespmem:$0x10100] =	vst v63  }
0xbd: {  	s13 =	simm.s32 $0xF900  }
0xbe: {  	[tilespmem:s13], [sflag:$0x1] =	stream.indirect_vreg.gather [hbm4b:s1+s3], $0x80, v3, vm0, $0xb8;
	[tilespmem:$0x10100] =	vst v63  }
0xbf: {  	_ =	swait.ge [sflag:s12], $0x10000  }
0xc0: {  	[sflag:s12] =	ssyncset.done $0x0  }
0xc1: {  	s0 =	simm.s32 $0x100;
	s13 =	rddreg [dreg:$0x5];
	[sflag:s12] =	ssyncadd.s32 $0xFFFF0000  }
0xc2: {  	[hbm4b:s13+s3] =	stream.linear.scatter [tilespmem:s0], [sflag:$0x2], $0x10000, $0x38;
	[tilespmem:$0x10100] =	vst v63  }
0xc3: {  	_ =	swait.ge [sflag:s5], $0x10000  }
0xc4: {  	[sflag:s5] =	ssyncset.done $0x0  }
0xc5: {  	s13 =	rddreg [dreg:$0x6];
	[sflag:s5] =	ssyncadd.s32 $0xFFFF0000  }
0xc6: {  	[tilespmem:s3], [sflag:$0x2] =	stream.linear.gather [hbm4b:s13+s3], $0x100, $0x38;
	[tilespmem:$0x10100] =	vst v63  }
0xc7: {  	_ =	swait.ge [sflag:s5], $0x100  }
0xc8: {  	[sflag:s5] =	ssyncset.done $0x0  }
0xc9: {  	[sflag:s5] =	ssyncadd.s32 $0xFFFFFF00  }
0xca: {  	v3 =	vld [tilespmem:$0x0];
	_ =	sdelay $0x4  }
0xcb: {  	v48 =	vshll.u32 v3, $0x1  }
0xcc: {  	v3 =	vand.u32 $0x7, v3;
	v4 =	vand.u32 $0xFFFFFFF0, v48  }
0xcd: {  	v3 =	vor.u32 v3, v4  }
0xce: {  	v4 =	vperm.xlane v3, v0;
	_ =	sdelay $0x1  }
0xcf: {  	v3 =	vperm.xlane v3, v2;
	v4 =	vadd.s32 v1, v4;
	_ =	sdelay $0x1  }
0xd0: {  	v3 =	vadd.s32 v1, v3;
	_ =	sdelay $0x2  }
0xd1: {  	[tilespmem:s0], [sflag:$0x1] =	stream.indirect_vreg.gather [hbm4b:s1+s3], $0x80, v4, vm0, $0xb8;
	[tilespmem:$0x10100] =	vst v63  }
0xd2: {  	_ = 	snop  }
0xd3: {  	[tilespmem:s14], [sflag:$0x1] =	stream.indirect_vreg.gather [hbm4b:s1+s3], $0x80, v3, vm0, $0xb8;
	[tilespmem:$0x10100] =	vst v63  }
0xd4: {  	v3 =	vld [tilespmem:$0x10];
	_ =	sdelay $0x4  }
0xd5: {  	v49 =	vshll.u32 v3, $0x1  }
0xd6: {  	v3 =	vand.u32 $0x7, v3;
	v4 =	vand.u32 $0xFFFFFFF0, v49  }
0xd7: {  	v3 =	vor.u32 v3, v4  }
0xd8: {  	v4 =	vperm.xlane v3, v0;
	_ =	sdelay $0x1  }
0xd9: {  	v3 =	vperm.xlane v3, v2;
	v4 =	vadd.s32 v1, v4;
	_ =	sdelay $0x1  }
0xda: {  	v3 =	vadd.s32 v1, v3;
	_ =	sdelay $0x2  }
0xdb: {  	[tilespmem:s15], [sflag:$0x1] =	stream.indirect_vreg.gather [hbm4b:s1+s3], $0x80, v4, vm0, $0xb8;
	[tilespmem:$0x10100] =	vst v63  }
0xdc: {  	_ = 	snop  }
0xdd: {  	[tilespmem:s16], [sflag:$0x1] =	stream.indirect_vreg.gather [hbm4b:s1+s3], $0x80, v3, vm0, $0xb8;
	[tilespmem:$0x10100] =	vst v63  }
0xde: {  	v3 =	vld [tilespmem:$0x20];
	_ =	sdelay $0x4  }
0xdf: {  	v50 =	vshll.u32 v3, $0x1  }
0xe0: {  	v3 =	vand.u32 $0x7, v3;
	v4 =	vand.u32 $0xFFFFFFF0, v50  }
0xe1: {  	v3 =	vor.u32 v3, v4  }
0xe2: {  	v4 =	vperm.xlane v3, v0;
	_ =	sdelay $0x1  }
0xe3: {  	v3 =	vperm.xlane v3, v2;
	v4 =	vadd.s32 v1, v4;
	_ =	sdelay $0x1  }
0xe4: {  	v3 =	vadd.s32 v1, v3;
	_ =	sdelay $0x2  }
0xe5: {  	[tilespmem:s17], [sflag:$0x1] =	stream.indirect_vreg.gather [hbm4b:s1+s3], $0x80, v4, vm0, $0xb8;
	[tilespmem:$0x10100] =	vst v63  }
0xe6: {  	_ = 	snop  }
0xe7: {  	[tilespmem:s18], [sflag:$0x1] =	stream.indirect_vreg.gather [hbm4b:s1+s3], $0x80, v3, vm0, $0xb8;
	[tilespmem:$0x10100] =	vst v63  }
0xe8: {  	v3 =	vld [tilespmem:$0x30];
	_ =	sdelay $0x4  }
0xe9: {  	v51 =	vshll.u32 v3, $0x1  }
0xea: {  	v3 =	vand.u32 $0x7, v3;
	v4 =	vand.u32 $0xFFFFFFF0, v51  }
0xeb: {  	v3 =	vor.u32 v3, v4  }
0xec: {  	v4 =	vperm.xlane v3, v0;
	_ =	sdelay $0x1  }
0xed: {  	v3 =	vperm.xlane v3, v2;
	v4 =	vadd.s32 v1, v4;
	_ =	sdelay $0x1  }
0xee: {  	v3 =	vadd.s32 v1, v3;
	_ =	sdelay $0x2  }
0xef: {  	[tilespmem:s19], [sflag:$0x1] =	stream.indirect_vreg.gather [hbm4b:s1+s3], $0x80, v4, vm0, $0xb8;
	[tilespmem:$0x10100] =	vst v63  }
0xf0: {  	_ = 	snop  }
0xf1: {  	[tilespmem:s20], [sflag:$0x1] =	stream.indirect_vreg.gather [hbm4b:s1+s3], $0x80, v3, vm0, $0xb8;
	[tilespmem:$0x10100] =	vst v63  }
0xf2: {  	v3 =	vld [tilespmem:$0x40];
	_ =	sdelay $0x4  }
0xf3: {  	v52 =	vshll.u32 v3, $0x1  }
0xf4: {  	v3 =	vand.u32 $0x7, v3;
	v4 =	vand.u32 $0xFFFFFFF0, v52  }
0xf5: {  	v3 =	vor.u32 v3, v4  }
0xf6: {  	v4 =	vperm.xlane v3, v0;
	_ =	sdelay $0x1  }
0xf7: {  	v3 =	vperm.xlane v3, v2;
	v4 =	vadd.s32 v1, v4;
	_ =	sdelay $0x1  }
0xf8: {  	v3 =	vadd.s32 v1, v3;
	_ =	sdelay $0x2  }
0xf9: {  	[tilespmem:s21], [sflag:$0x1] =	stream.indirect_vreg.gather [hbm4b:s1+s3], $0x80, v4, vm0, $0xb8;
	[tilespmem:$0x10100] =	vst v63  }
0xfa: {  	_ = 	snop  }
0xfb: {  	[tilespmem:s22], [sflag:$0x1] =	stream.indirect_vreg.gather [hbm4b:s1+s3], $0x80, v3, vm0, $0xb8;
	[tilespmem:$0x10100] =	vst v63  }
0xfc: {  	v3 =	vld [tilespmem:$0x50];
	_ =	sdelay $0x4  }
0xfd: {  	v53 =	vshll.u32 v3, $0x1  }
0xfe: {  	v3 =	vand.u32 $0x7, v3;
	v4 =	vand.u32 $0xFFFFFFF0, v53  }
0xff: {  	v3 =	vor.u32 v3, v4  }
0x100: {  	v4 =	vperm.xlane v3, v0;
	_ =	sdelay $0x1  }
0x101: {  	v3 =	vperm.xlane v3, v2;
	v4 =	vadd.s32 v1, v4;
	_ =	sdelay $0x1  }
0x102: {  	v3 =	vadd.s32 v1, v3;
	_ =	sdelay $0x2  }
0x103: {  	[tilespmem:s23], [sflag:$0x1] =	stream.indirect_vreg.gather [hbm4b:s1+s3], $0x80, v4, vm0, $0xb8;
	[tilespmem:$0x10100] =	vst v63  }
0x104: {  	_ = 	snop  }
0x105: {  	[tilespmem:s24], [sflag:$0x1] =	stream.indirect_vreg.gather [hbm4b:s1+s3], $0x80, v3, vm0, $0xb8;
	[tilespmem:$0x10100] =	vst v63  }
0x106: {  	v3 =	vld [tilespmem:$0x60];
	_ =	sdelay $0x4  }
0x107: {  	v54 =	vshll.u32 v3, $0x1  }
0x108: {  	v3 =	vand.u32 $0x7, v3;
	v4 =	vand.u32 $0xFFFFFFF0, v54  }
0x109: {  	v3 =	vor.u32 v3, v4  }
0x10a: {  	v4 =	vperm.xlane v3, v0;
	_ =	sdelay $0x1  }
0x10b: {  	v3 =	vperm.xlane v3, v2;
	v4 =	vadd.s32 v1, v4;
	_ =	sdelay $0x1  }
0x10c: {  	v3 =	vadd.s32 v1, v3;
	_ =	sdelay $0x2  }
0x10d: {  	[tilespmem:s25], [sflag:$0x1] =	stream.indirect_vreg.gather [hbm4b:s1+s3], $0x80, v4, vm0, $0xb8;
	[tilespmem:$0x10100] =	vst v63  }
0x10e: {  	_ = 	snop  }
0x10f: {  	[tilespmem:s26], [sflag:$0x1] =	stream.indirect_vreg.gather [hbm4b:s1+s3], $0x80, v3, vm0, $0xb8;
	[tilespmem:$0x10100] =	vst v63  }
0x110: {  	v3 =	vld [tilespmem:$0x70];
	_ =	sdelay $0x4  }
0x111: {  	v55 =	vshll.u32 v3, $0x1  }
0x112: {  	v3 =	vand.u32 $0x7, v3;
	v4 =	vand.u32 $0xFFFFFFF0, v55  }
0x113: {  	v3 =	vor.u32 v3, v4  }
0x114: {  	v4 =	vperm.xlane v3, v0;
	_ =	sdelay $0x1  }
0x115: {  	v3 =	vperm.xlane v3, v2;
	v4 =	vadd.s32 v1, v4;
	_ =	sdelay $0x1  }
0x116: {  	v3 =	vadd.s32 v1, v3;
	_ =	sdelay $0x2  }
0x117: {  	[tilespmem:s28], [sflag:$0x1] =	stream.indirect_vreg.gather [hbm4b:s1+s3], $0x80, v4, vm0, $0xb8;
	[tilespmem:$0x10100] =	vst v63  }
0x118: {  	_ = 	snop  }
0x119: {  	[tilespmem:s29], [sflag:$0x1] =	stream.indirect_vreg.gather [hbm4b:s1+s3], $0x80, v3, vm0, $0xb8;
	[tilespmem:$0x10100] =	vst v63  }
0x11a: {  	v3 =	vld [tilespmem:$0x80];
	_ =	sdelay $0x4  }
0x11b: {  	v56 =	vshll.u32 v3, $0x1  }
0x11c: {  	v3 =	vand.u32 $0x7, v3;
	v4 =	vand.u32 $0xFFFFFFF0, v56  }
0x11d: {  	v3 =	vor.u32 v3, v4  }
0x11e: {  	v4 =	vperm.xlane v3, v0;
	_ =	sdelay $0x1  }
0x11f: {  	v3 =	vperm.xlane v3, v2;
	v4 =	vadd.s32 v1, v4;
	_ =	sdelay $0x1  }
0x120: {  	v3 =	vadd.s32 v1, v3;
	_ =	sdelay $0x2  }
0x121: {  	[tilespmem:s30], [sflag:$0x1] =	stream.indirect_vreg.gather [hbm4b:s1+s3], $0x80, v4, vm0, $0xb8;
	[tilespmem:$0x10100] =	vst v63  }
0x122: {  	_ = 	snop  }
0x123: {  	[tilespmem:s31], [sflag:$0x1] =	stream.indirect_vreg.gather [hbm4b:s1+s3], $0x80, v3, vm0, $0xb8;
	[tilespmem:$0x10100] =	vst v63  }
0x124: {  	v3 =	vld [tilespmem:$0x90];
	_ =	sdelay $0x4  }
0x125: {  	v57 =	vshll.u32 v3, $0x1  }
0x126: {  	v3 =	vand.u32 $0x7, v3;
	v4 =	vand.u32 $0xFFFFFFF0, v57  }
0x127: {  	v3 =	vor.u32 v3, v4  }
0x128: {  	v4 =	vperm.xlane v3, v0;
	_ =	sdelay $0x1  }
0x129: {  	v3 =	vperm.xlane v3, v2;
	v4 =	vadd.s32 v1, v4;
	_ =	sdelay $0x1  }
0x12a: {  	v3 =	vadd.s32 v1, v3;
	_ =	sdelay $0x1  }
0x12b: {  	s13 =	simm.s32 $0x9100  }
0x12c: {  	[tilespmem:s13], [sflag:$0x1] =	stream.indirect_vreg.gather [hbm4b:s1+s3], $0x80, v4, vm0, $0xb8;
	[tilespmem:$0x10100] =	vst v63  }
0x12d: {  	_ = 	snop  }
0x12e: {  	[tilespmem:s2], [sflag:$0x1] =	stream.indirect_vreg.gather [hbm4b:s1+s3], $0x80, v3, vm0, $0xb8;
	[tilespmem:$0x10100] =	vst v63  }
0x12f: {  	v3 =	vld [tilespmem:$0xA0];
	_ =	sdelay $0x4  }
0x130: {  	v58 =	vshll.u32 v3, $0x1  }
0x131: {  	v3 =	vand.u32 $0x7, v3;
	v4 =	vand.u32 $0xFFFFFFF0, v58  }
0x132: {  	v3 =	vor.u32 v3, v4  }
0x133: {  	v4 =	vperm.xlane v3, v0;
	_ =	sdelay $0x1  }
0x134: {  	v3 =	vperm.xlane v3, v2;
	v4 =	vadd.s32 v1, v4;
	_ =	sdelay $0x1  }
0x135: {  	v3 =	vadd.s32 v1, v3;
	_ =	sdelay $0x2  }
0x136: {  	[tilespmem:s7], [sflag:$0x1] =	stream.indirect_vreg.gather [hbm4b:s1+s3], $0x80, v4, vm0, $0xb8;
	[tilespmem:$0x10100] =	vst v63  }
0x137: {  	_ = 	snop  }
0x138: {  	[tilespmem:s8], [sflag:$0x1] =	stream.indirect_vreg.gather [hbm4b:s1+s3], $0x80, v3, vm0, $0xb8;
	[tilespmem:$0x10100] =	vst v63  }
0x139: {  	v3 =	vld [tilespmem:$0xB0];
	_ =	sdelay $0x4  }
0x13a: {  	v59 =	vshll.u32 v3, $0x1  }
0x13b: {  	v3 =	vand.u32 $0x7, v3;
	v4 =	vand.u32 $0xFFFFFFF0, v59  }
0x13c: {  	v3 =	vor.u32 v3, v4  }
0x13d: {  	v4 =	vperm.xlane v3, v0;
	_ =	sdelay $0x1  }
0x13e: {  	v3 =	vperm.xlane v3, v2;
	v4 =	vadd.s32 v1, v4;
	_ =	sdelay $0x1  }
0x13f: {  	v3 =	vadd.s32 v1, v3;
	_ =	sdelay $0x2  }
0x140: {  	[tilespmem:s9], [sflag:$0x1] =	stream.indirect_vreg.gather [hbm4b:s1+s3], $0x80, v4, vm0, $0xb8;
	[tilespmem:$0x10100] =	vst v63  }
0x141: {  	_ = 	snop  }
0x142: {  	[tilespmem:s10], [sflag:$0x1] =	stream.indirect_vreg.gather [hbm4b:s1+s3], $0x80, v3, vm0, $0xb8;
	[tilespmem:$0x10100] =	vst v63  }
0x143: {  	v3 =	vld [tilespmem:$0xC0];
	_ =	sdelay $0x4  }
0x144: {  	v60 =	vshll.u32 v3, $0x1  }
0x145: {  	v3 =	vand.u32 $0x7, v3;
	v4 =	vand.u32 $0xFFFFFFF0, v60  }
0x146: {  	v3 =	vor.u32 v3, v4  }
0x147: {  	v4 =	vperm.xlane v3, v0;
	_ =	sdelay $0x1  }
0x148: {  	v3 =	vperm.xlane v3, v2;
	v4 =	vadd.s32 v1, v4;
	_ =	sdelay $0x1  }
0x149: {  	v3 =	vadd.s32 v1, v3;
	_ =	sdelay $0x2  }
0x14a: {  	[tilespmem:s11], [sflag:$0x1] =	stream.indirect_vreg.gather [hbm4b:s1+s3], $0x80, v4, vm0, $0xb8;
	[tilespmem:$0x10100] =	vst v63  }
0x14b: {  	_ = 	snop  }
0x14c: {  	[tilespmem:s6], [sflag:$0x1] =	stream.indirect_vreg.gather [hbm4b:s1+s3], $0x80, v3, vm0, $0xb8;
	[tilespmem:$0x10100] =	vst v63  }
0x14d: {  	v3 =	vld [tilespmem:$0xD0];
	_ =	sdelay $0x4  }
0x14e: {  	v61 =	vshll.u32 v3, $0x1  }
0x14f: {  	v3 =	vand.u32 $0x7, v3;
	v4 =	vand.u32 $0xFFFFFFF0, v61  }
0x150: {  	v3 =	vor.u32 v3, v4  }
0x151: {  	v4 =	vperm.xlane v3, v0;
	_ =	sdelay $0x1  }
0x152: {  	v3 =	vperm.xlane v3, v2;
	v4 =	vadd.s32 v1, v4;
	_ =	sdelay $0x1  }
0x153: {  	v3 =	vadd.s32 v1, v3;
	_ =	sdelay $0x1  }
0x154: {  	s13 =	simm.s32 $0xD100  }
0x155: {  	[tilespmem:s13], [sflag:$0x1] =	stream.indirect_vreg.gather [hbm4b:s1+s3], $0x80, v4, vm0, $0xb8;
	[tilespmem:$0x10100] =	vst v63  }
0x156: {  	s13 =	simm.s32 $0xD900  }
0x157: {  	[tilespmem:s13], [sflag:$0x1] =	stream.indirect_vreg.gather [hbm4b:s1+s3], $0x80, v3, vm0, $0xb8;
	[tilespmem:$0x10100] =	vst v63  }
0x158: {  	v3 =	vld [tilespmem:$0xE0];
	_ =	sdelay $0x4  }
0x159: {  	v62 =	vshll.u32 v3, $0x1  }
0x15a: {  	v3 =	vand.u32 $0x7, v3;
	v4 =	vand.u32 $0xFFFFFFF0, v62  }
0x15b: {  	v3 =	vor.u32 v3, v4  }
0x15c: {  	v4 =	vperm.xlane v3, v0;
	_ =	sdelay $0x1  }
0x15d: {  	v3 =	vperm.xlane v3, v2;
	v4 =	vadd.s32 v1, v4;
	_ =	sdelay $0x1  }
0x15e: {  	v3 =	vadd.s32 v1, v3;
	_ =	sdelay $0x1  }
0x15f: {  	s13 =	simm.s32 $0xE100  }
0x160: {  	[tilespmem:s13], [sflag:$0x1] =	stream.indirect_vreg.gather [hbm4b:s1+s3], $0x80, v4, vm0, $0xb8;
	[tilespmem:$0x10100] =	vst v63  }
0x161: {  	s13 =	simm.s32 $0xE900  }
0x162: {  	[tilespmem:s13], [sflag:$0x1] =	stream.indirect_vreg.gather [hbm4b:s1+s3], $0x80, v3, vm0, $0xb8;
	[tilespmem:$0x10100] =	vst v63  }
0x163: {  	v3 =	vld [tilespmem:$0xF0];
	_ =	sdelay $0x4  }
0x164: {  	v63 =	vshll.u32 v3, $0x1  }
0x165: {  	v3 =	vand.u32 $0x7, v3;
	v4 =	vand.u32 $0xFFFFFFF0, v63  }
0x166: {  	v3 =	vor.u32 v3, v4  }
0x167: {  	v4 =	vperm.xlane v3, v0;
	_ =	sdelay $0x1  }
0x168: {  	v3 =	vperm.xlane v3, v2;
	v4 =	vadd.s32 v1, v4;
	_ =	sdelay $0x1  }
0x169: {  	v3 =	vadd.s32 v1, v3;
	_ =	sdelay $0x1  }
0x16a: {  	s13 =	simm.s32 $0xF100  }
0x16b: {  	[tilespmem:s13], [sflag:$0x1] =	stream.indirect_vreg.gather [hbm4b:s1+s3], $0x80, v4, vm0, $0xb8;
	[tilespmem:$0x10100] =	vst v63  }
0x16c: {  	s13 =	simm.s32 $0xF900  }
0x16d: {  	[tilespmem:s13], [sflag:$0x1] =	stream.indirect_vreg.gather [hbm4b:s1+s3], $0x80, v3, vm0, $0xb8;
	[tilespmem:$0x10100] =	vst v63  }
0x16e: {  	_ =	swait.ge [sflag:s12], $0x10000  }
0x16f: {  	p0 =	sne.s32 s4, $0x1;
	s0 =	simm.s32 $0x100;
	[sflag:s12] =	ssyncset.done $0x0  }
.Ltmp0:
0x170: {  	s13 =	rddreg [dreg:$0x7];
	[sflag:s12] =	ssyncadd.s32 $0xFFFF0000;
	(pc) =	sbr.rel @p0 .LBB2_1-.Ltmp0, $4  }
0x171: {  	[hbm4b:s13+s3] =	stream.linear.scatter [tilespmem:s0], [sflag:$0x2], $0x10000, $0x38;
	[tilespmem:$0x10100] =	vst v63  }
0x172: {  	_ =	swait.ge [sflag:s5], $0x10000  }
0x173: {  	[sflag:s5] =	ssyncset.done $0x0  }
0x174: {  	s4 =	sadd.s32 $0xFFFFFFFF, s4;
	[sflag:s5] =	ssyncadd.s32 $0xFFFF0000  }
0x175: {  	_ =	sfence.sel $0x180000  }
0x176: {  	[bflag:$0x0] =	sbarrier.arrive $0xFFFF  }
0x177: {  	_ =	strace $0x90000047  }
0x178: {  	s0 =	stileid.u32;
	[bflag:$0x2] =	sbarrier.arrive $0xFFFF  }
0x179: {  	p0 =	sne.s32 s0, $0x0;
	s0 =	rddreg [dreg:$0x3]  }
0x17a: {  	s0 =	sadd.s32 @!p0 $0x100000, s0  }
0x17b: {  	[sflag:s0] =	ssyncadd.tile.s32 @!p0 $0x1;
	_ =	shalt  }
.Lfunc_end2:
_tile_overlayer_lowered:
.L_overlay_start_2:
0x17c: {  	(tag) =	ssettag $0x2  }
0x17d: {  	s0 =	rddreg [dreg:$0x0];
	s2 =	stileid.u32  }
0x17e: {  	s1 =	rddreg [dreg:$0x1];
	p0 =	sne.s32 s2, $0x0  }
0x17f: {  	s3 =	rddreg [dreg:$0x2];
	[bflag:$0x3] =	sbarrier.arrive $0xFFFF;
	s2 =	simm.s32 @!p0 $0x1C02  }
0x180: {  	[timem:s3], [sflag:s2] =	dma.local @!p0 [hbm:s0], s1  }
0x181: {  	s0 =	simm.s32 @!p0 $0x2  }
0x182: {  	_ =	swait.ge @!p0 [sflag:s0], s1  }
0x183: {  	s1 =	ssub.s32 @!p0 $0x0, s1;
	[sflag:s0] =	ssyncset.done @!p0 $0x0  }
0x184: {  	[sflag:s0] =	ssyncadd.s32 @!p0 s1  }
0x185: {  	[bflag:$0x3] =	sbarrier.arrive $0xFFFF  }
0x186: {  	_ =	shalt  }

</sc_bundles>
